<compile_context>
chip_gen: v7x
topology: tpu7x:2x2x1
jax: 0.10.2.dev20260603
libtpu: 0.0.44.dev20260713+nightly
codegen_flags: <defaults>
</compile_context>

<pallas_src>
import functools

import jax
import jax.numpy as jnp
from jax import lax
from jax.experimental import pallas as pl
from jax.experimental.pallas import tpu as pltpu
from jax.experimental.pallas import tpu_sc as plsc

_B, _C, _H, _W = 16, 64, 32, 32
_HW = _H * _W
_K = 512
_MB = 4

_NC = 2
_NSC = 16
_NW = _NC * _NSC
_RPW = (_B * _C) // _NW
_L = 16


def _vq_body(z_ref, cb_ref, idx_ref):
    cb = cb_ref[...]
    esq = jnp.sum(cb * cb, axis=1, keepdims=True)
    kio = jax.lax.broadcasted_iota(jnp.int32, (_K, _HW), 0)
    for i in range(_MB):
        zb = z_ref[i]
        dot = jax.lax.dot_general(
            cb, zb, (((1,), (0,)), ((), ())),
            preferred_element_type=jnp.float32,
        )
        s = zb * zb
        w = _C
        while w > 1:
            w //= 2
            s = s[:w] + s[w:2 * w]
        zsq = s
        d = zsq - 2.0 * dot + esq
        dmin = jnp.min(d, axis=0, keepdims=True)
        idx = jnp.min(jnp.where(d == dmin, kio, _K), axis=0).astype(jnp.int32)
        idx_ref[i] = idx.reshape(8, 128)


def _lookup_body(cb_hbm, idx_hbm, out_hbm, cb_v, idx_v, out_v):
    w = lax.axis_index("s") * _NC + lax.axis_index("c")
    row0 = w * _RPW
    b = row0 // _C
    c0 = row0 % _C
    pltpu.sync_copy(cb_hbm, cb_v)
    pltpu.sync_copy(idx_hbm.at[b], idx_v)
    @plsc.parallel_loop(0, _HW // _L, unroll=4)
    def gloop(g):
        ids = idx_v[pl.ds(g * _L, _L)]
        base = ids + c0 * _K
        for ci in range(_RPW):
            vals = plsc.load_gather(cb_v, [base + ci * _K])
            out_v[ci, pl.ds(g * _L, _L)] = vals
    pltpu.sync_copy(out_v, out_hbm.at[pl.ds(row0, _RPW)])


def kernel(z_e, codebook):
    B, C, H, W = z_e.shape
    z = z_e.reshape(B, C, _HW)
    idx = pl.pallas_call(
        _vq_body,
        grid=(B // _MB,),
        in_specs=[
            pl.BlockSpec((_MB, C, _HW), lambda b: (b, 0, 0)),
            pl.BlockSpec((_K, C), lambda b: (0, 0)),
        ],
        out_specs=pl.BlockSpec((_MB, 8, 128), lambda b: (b, 0, 0)),
        out_shape=jax.ShapeDtypeStruct((B, 8, 128), jnp.int32),
        compiler_params=pltpu.CompilerParams(
            dimension_semantics=("arbitrary",),
        ),
    )(z, codebook)

    mesh = plsc.VectorSubcoreMesh(core_axis_name="c", subcore_axis_name="s")
    lookup = functools.partial(
        pl.kernel,
        mesh=mesh,
        out_type=jax.ShapeDtypeStruct((B * C, _HW), jnp.float32),
        scratch_types=[
            pltpu.VMEM((_K * C,), jnp.float32),
            pltpu.VMEM((_HW,), jnp.int32),
            pltpu.VMEM((_RPW, _HW), jnp.float32),
        ],
        compiler_params=pltpu.CompilerParams(
            use_tc_tiling_on_sc=False,
            needs_layout_passes=False,
            skip_device_barrier=True,
        ),
    )(_lookup_body)
    zq = lookup(codebook.T.reshape(_K * C), idx.reshape(B, _HW))
    return zq.reshape(B, C, H, W), idx.reshape(-1)

# --- scband reference (transcript-rebuilt; emitter-appended) ---
"""Pipeline reference for scband-vector-quantizer-38843684225126 (READ-ONLY COPY).

The authoritative reference and input builder live on the scoring server;
editing this copy changes nothing except your own understanding.
"""

import jax, jax.numpy as jnp
import numpy as np


def setup_inputs(seed: int = 0) -> dict:
    key = jax.random.key(seed)
    k1, k2 = jax.random.split(key)
    B, C, H, W = 16, 64, 32, 32
    K = 512
    z_e = jax.random.normal(k1, (B, C, H, W), dtype=jnp.float32)
    codebook = jax.random.uniform(k2, (K, C), dtype=jnp.float32, minval=-1.0 / K, maxval=1.0 / K)
    return {"z_e": z_e, "codebook": codebook}


def reference(z_e, codebook):
    B, C, H, W = z_e.shape
    z_e_flat = jnp.transpose(z_e, (0, 2, 3, 1)).reshape(-1, C)
    # ||z - e||^2 = ||z||^2 - 2 z.e + ||e||^2 (mathematically identical to broadcast form,
    # avoids materializing the [N, K, C] intermediate)
    distances = (
        jnp.sum(z_e_flat ** 2, axis=1, keepdims=True)
        - 2.0 * (z_e_flat @ codebook.T)
        + jnp.sum(codebook ** 2, axis=1)[None, :]
    )
    encoding_indices = jnp.argmin(distances, axis=1)
    z_q = jnp.take(codebook, encoding_indices, axis=0)
    z_q = jnp.transpose(z_q.reshape(B, H, W, C), (0, 3, 1, 2))
    return (z_q, encoding_indices)

if __name__ == "__main__":
    import jax
    _d = setup_inputs()
    print(jax.jit(kernel)(*tuple(_d.values())))

</pallas_src>

<mosaic_0001>
#map = affine_map<(d0, d1) -> (0)>
#map1 = affine_map<(d0, d1) -> (0, 0)>
module attributes {stable_mosaic.version = 14 : i64} {
  func.func @_lookup_body(%arg0: i32, %arg1: i32, %arg2: memref<32768xf32, #tpu.memory_space<hbm>>, %arg3: memref<16x1024xi32, #tpu.memory_space<hbm>>, %arg4: memref<1024x1024xf32, #tpu.memory_space<hbm>>, %arg5: memref<32768xf32, #tpu.memory_space<vmem>>, %arg6: memref<1024xi32, #tpu.memory_space<vmem>>, %arg7: memref<32x1024xf32, #tpu.memory_space<vmem>>) attributes {dimension_semantics = [#tpu.dimension_semantics<core_parallel>, #tpu.dimension_semantics<subcore_parallel>], iteration_bounds = array<i64: 2, 16>, scalar_prefetch = 0 : i64, scratch_operands = 3 : i64, tpu.core_type = #tpu.core_type<sc_vector_subcore>, window_params = [{transform_indices = #map}, {transform_indices = #map1}, {transform_indices = #map1}]} {
    %mul3A = arith.constant 2 : i32
    %mul3A_0 = arith.muli %arg1, %mul3A : i32
    %add3A = arith.addi %mul3A_0, %arg0 : i32
    %mul3A_1 = arith.constant 32 : i32
    %mul3A_2 = arith.muli %add3A, %mul3A_1 : i32
    %jit3A = arith.constant 64 : i32
    %div3A = arith.divsi %mul3A_2, %jit3A : i32
    %sign3A = arith.constant 0 : i32
    %sign3A_3 = arith.cmpi sgt, %mul3A_2, %sign3A : i32
    %sign3A_4 = arith.extui %sign3A_3 : i1 to i32
    %sign3A_5 = arith.constant 0 : i32
    %sign3A_6 = arith.cmpi slt, %mul3A_2, %sign3A_5 : i32
    %sign3A_7 = arith.extui %sign3A_6 : i1 to i32
    %sign3A_8 = arith.subi %sign3A_4, %sign3A_7 : i32
    %sign3A_9 = arith.constant 0 : i32
    %sign3A_10 = arith.cmpi sgt, %jit3A, %sign3A_9 : i32
    %sign3A_11 = arith.extui %sign3A_10 : i1 to i32
    %sign3A_12 = arith.constant 0 : i32
    %sign3A_13 = arith.cmpi slt, %jit3A, %sign3A_12 : i32
    %sign3A_14 = arith.extui %sign3A_13 : i1 to i32
    %sign3A_15 = arith.subi %sign3A_11, %sign3A_14 : i32
    %ne3A = arith.cmpi ne, %sign3A_8, %sign3A_15 : i32
    %rem3A = arith.remsi %mul3A_2, %jit3A : i32
    %ne3A_16 = arith.constant 0 : i32
    %ne3A_17 = arith.cmpi ne, %rem3A, %ne3A_16 : i32
    %and3A = arith.andi %ne3A, %ne3A_17 : i1
    %sub3A = arith.constant 1 : i32
    %sub3A_18 = arith.subi %div3A, %sub3A : i32
    %select_n3A = arith.select %and3A, %sub3A_18, %div3A : i32
    %jit3A_19 = arith.constant 64 : i32
    %eq3A = arith.constant 0 : i32
    %eq3A_20 = arith.cmpi eq, %jit3A_19, %eq3A : i32
    %jit3A_21 = arith.constant 1 : i32
    %select_n3A_22 = arith.select %eq3A_20, %jit3A_21, %jit3A_19 : i32
    %rem3A_23 = arith.remsi %mul3A_2, %select_n3A_22 : i32
    %ne3A_24 = arith.constant 0 : i32
    %ne3A_25 = arith.cmpi ne, %rem3A_23, %ne3A_24 : i32
    %lt3A = arith.constant 0 : i32
    %lt3A_26 = arith.cmpi slt, %rem3A_23, %lt3A : i32
    %lt3A_27 = arith.constant 0 : i32
    %lt3A_28 = arith.cmpi slt, %select_n3A_22, %lt3A_27 : i32
    %ne3A_29 = arith.xori %lt3A_26, %lt3A_28 : i1
    %and3A_30 = arith.andi %ne3A_29, %ne3A_25 : i1
    %add3A_31 = arith.addi %rem3A_23, %select_n3A_22 : i32
    %select_n3A_32 = arith.select %and3A_30, %add3A_31, %rem3A_23 : i32
    "tpu.region"() ({
      %run_scoped3A = tpu.sem_alloc : memref<!tpu.dma_semaphore, #tpu.memory_space<semaphore_mem>>
      tpu.enqueue_dma source(%arg2 : memref<32768xf32, #tpu.memory_space<hbm>>) target(%arg5 : memref<32768xf32, #tpu.memory_space<vmem>>) target_semaphore(%run_scoped3A : memref<!tpu.dma_semaphore, #tpu.memory_space<semaphore_mem>>)
      tpu.wait_dma2 semaphore(%run_scoped3A : memref<!tpu.dma_semaphore, #tpu.memory_space<semaphore_mem>>) src(%arg2 : memref<32768xf32, #tpu.memory_space<hbm>>) dst(%arg5 : memref<32768xf32, #tpu.memory_space<vmem>>)
      tpu.yield
    }) : () -> ()
    "tpu.region"() ({
      %run_scoped3A = tpu.sem_alloc : memref<!tpu.dma_semaphore, #tpu.memory_space<semaphore_mem>>
      %dma_start3A = arith.constant 0 : i32
      %dma_start3A_35 = tpu.memref_slice %arg3[%select_n3A, %dma_start3A] : memref<16x1024xi32, #tpu.memory_space<hbm>> -> memref<1x1024xi32, #tpu.memory_space<hbm>>
      %dma_start3A_36 = tpu.memref_squeeze %dma_start3A_35 : memref<1x1024xi32, #tpu.memory_space<hbm>> -> memref<1024xi32, #tpu.memory_space<hbm>>
      %dma_start3A_37 = arith.constant 0 : i32
      %dma_start3A_38 = tpu.memref_slice %arg3[%select_n3A, %dma_start3A_37] : memref<16x1024xi32, #tpu.memory_space<hbm>> -> memref<1x1024xi32, #tpu.memory_space<hbm>>
      %dma_start3A_39 = tpu.memref_squeeze %dma_start3A_38 : memref<1x1024xi32, #tpu.memory_space<hbm>> -> memref<1024xi32, #tpu.memory_space<hbm>>
      tpu.enqueue_dma source(%dma_start3A_39 : memref<1024xi32, #tpu.memory_space<hbm>>) target(%arg6 : memref<1024xi32, #tpu.memory_space<vmem>>) target_semaphore(%run_scoped3A : memref<!tpu.dma_semaphore, #tpu.memory_space<semaphore_mem>>)
      %dma_wait3A = arith.constant 0 : i32
      %dma_wait3A_40 = tpu.memref_slice %arg3[%select_n3A, %dma_wait3A] : memref<16x1024xi32, #tpu.memory_space<hbm>> -> memref<1x1024xi32, #tpu.memory_space<hbm>>
      %dma_wait3A_41 = tpu.memref_squeeze %dma_wait3A_40 : memref<1x1024xi32, #tpu.memory_space<hbm>> -> memref<1024xi32, #tpu.memory_space<hbm>>
      %dma_wait3A_42 = arith.constant 0 : i32
      %dma_wait3A_43 = tpu.memref_slice %arg3[%select_n3A, %dma_wait3A_42] : memref<16x1024xi32, #tpu.memory_space<hbm>> -> memref<1x1024xi32, #tpu.memory_space<hbm>>
      %dma_wait3A_44 = tpu.memref_squeeze %dma_wait3A_43 : memref<1x1024xi32, #tpu.memory_space<hbm>> -> memref<1024xi32, #tpu.memory_space<hbm>>
      tpu.wait_dma2 semaphore(%run_scoped3A : memref<!tpu.dma_semaphore, #tpu.memory_space<semaphore_mem>>) src(%dma_wait3A_44 : memref<1024xi32, #tpu.memory_space<hbm>>) dst(%arg6 : memref<1024xi32, #tpu.memory_space<vmem>>)
      tpu.yield
    }) : () -> ()
    %parallel_loop3A = arith.constant 0 : i32
    %parallel_loop3A_33 = arith.constant 64 : i32
    %parallel_loop3A_34 = arith.constant 1 : i32
    scf.for %parallel_loop3A_35 = %parallel_loop3A to %parallel_loop3A_33 step %parallel_loop3A_34  : i32 {
      %parallel_loop3A_36 = arith.constant 16 : i32
      %parallel_loop3A_37 = arith.muli %parallel_loop3A_35, %parallel_loop3A_36 : i32
      %parallel_loop3A_38 = arith.index_cast %parallel_loop3A_37 : i32 to index
      %parallel_loop3A_39 = tpu.vector_load %arg6[%parallel_loop3A_38] {strides = array<i32>} : memref<1024xi32, #tpu.memory_space<vmem>>, vector<16xi32>,
      %parallel_loop3A_40 = arith.constant 512 : i32
      %parallel_loop3A_41 = arith.muli %select_n3A_32, %parallel_loop3A_40 : i32
      %parallel_loop3A_42 = vector.broadcast %parallel_loop3A_41 : i32 to vector<16xi32>
      %parallel_loop3A_43 = arith.addi %parallel_loop3A_39, %parallel_loop3A_42 : vector<16xi32>
      %parallel_loop3A_44 = arith.constant 0 : i32
      %parallel_loop3A_45 = vector.broadcast %parallel_loop3A_44 : i32 to vector<16xi32>
      %parallel_loop3A_46 = arith.addi %parallel_loop3A_43, %parallel_loop3A_45 : vector<16xi32>
      %parallel_loop3A_47 = tpu.vector_load_idx %arg5[%parallel_loop3A_46] : memref<32768xf32, #tpu.memory_space<vmem>>[vector<16xi32>], vector<16xf32>,
      %parallel_loop3A_48 = arith.constant 16 : i32
      %parallel_loop3A_49 = arith.muli %parallel_loop3A_35, %parallel_loop3A_48 : i32
      %parallel_loop3A_50 = arith.constant 0 : i32
      %parallel_loop3A_51 = arith.index_cast %parallel_loop3A_50 : i32 to index
      %parallel_loop3A_52 = arith.index_cast %parallel_loop3A_49 : i32 to index
      %parallel_loop3A_53 = tpu.vector_load %arg7[%parallel_loop3A_51, %parallel_loop3A_52] {strides = array<i32>} : memref<32x1024xf32, #tpu.memory_space<vmem>>, vector<16xf32>,
      tpu.vector_store %arg7[%parallel_loop3A_51, %parallel_loop3A_52], %parallel_loop3A_47 {strides = array<i32>} : memref<32x1024xf32, #tpu.memory_space<vmem>>, vector<16xf32>,
      %parallel_loop3A_54 = arith.constant 512 : i32
      %parallel_loop3A_55 = vector.broadcast %parallel_loop3A_54 : i32 to vector<16xi32>
      %parallel_loop3A_56 = arith.addi %parallel_loop3A_43, %parallel_loop3A_55 : vector<16xi32>
      %parallel_loop3A_57 = tpu.vector_load_idx %arg5[%parallel_loop3A_56] : memref<32768xf32, #tpu.memory_space<vmem>>[vector<16xi32>], vector<16xf32>,
      %parallel_loop3A_58 = arith.constant 16 : i32
      %parallel_loop3A_59 = arith.muli %parallel_loop3A_35, %parallel_loop3A_58 : i32
      %parallel_loop3A_60 = arith.constant 1 : i32
      %parallel_loop3A_61 = arith.index_cast %parallel_loop3A_60 : i32 to index
      %parallel_loop3A_62 = arith.index_cast %parallel_loop3A_59 : i32 to index
      %parallel_loop3A_63 = tpu.vector_load %arg7[%parallel_loop3A_61, %parallel_loop3A_62] {strides = array<i32>} : memref<32x1024xf32, #tpu.memory_space<vmem>>, vector<16xf32>,
      tpu.vector_store %arg7[%parallel_loop3A_61, %parallel_loop3A_62], %parallel_loop3A_57 {strides = array<i32>} : memref<32x1024xf32, #tpu.memory_space<vmem>>, vector<16xf32>,
      %parallel_loop3A_64 = arith.constant 1024 : i32
      %parallel_loop3A_65 = vector.broadcast %parallel_loop3A_64 : i32 to vector<16xi32>
      %parallel_loop3A_66 = arith.addi %parallel_loop3A_43, %parallel_loop3A_65 : vector<16xi32>
      %parallel_loop3A_67 = tpu.vector_load_idx %arg5[%parallel_loop3A_66] : memref<32768xf32, #tpu.memory_space<vmem>>[vector<16xi32>], vector<16xf32>,
      %parallel_loop3A_68 = arith.constant 16 : i32
      %parallel_loop3A_69 = arith.muli %parallel_loop3A_35, %parallel_loop3A_68 : i32
      %parallel_loop3A_70 = arith.constant 2 : i32
      %parallel_loop3A_71 = arith.index_cast %parallel_loop3A_70 : i32 to index
      %parallel_loop3A_72 = arith.index_cast %parallel_loop3A_69 : i32 to index
      %parallel_loop3A_73 = tpu.vector_load %arg7[%parallel_loop3A_71, %parallel_loop3A_72] {strides = array<i32>} : memref<32x1024xf32, #tpu.memory_space<vmem>>, vector<16xf32>,
      tpu.vector_store %arg7[%parallel_loop3A_71, %parallel_loop3A_72], %parallel_loop3A_67 {strides = array<i32>} : memref<32x1024xf32, #tpu.memory_space<vmem>>, vector<16xf32>,
      %parallel_loop3A_74 = arith.constant 1536 : i32
      %parallel_loop3A_75 = vector.broadcast %parallel_loop3A_74 : i32 to vector<16xi32>
      %parallel_loop3A_76 = arith.addi %parallel_loop3A_43, %parallel_loop3A_75 : vector<16xi32>
      %parallel_loop3A_77 = tpu.vector_load_idx %arg5[%parallel_loop3A_76] : memref<32768xf32, #tpu.memory_space<vmem>>[vector<16xi32>], vector<16xf32>,
      %parallel_loop3A_78 = arith.constant 16 : i32
      %parallel_loop3A_79 = arith.muli %parallel_loop3A_35, %parallel_loop3A_78 : i32
      %parallel_loop3A_80 = arith.constant 3 : i32
      %parallel_loop3A_81 = arith.index_cast %parallel_loop3A_80 : i32 to index
      %parallel_loop3A_82 = arith.index_cast %parallel_loop3A_79 : i32 to index
      %parallel_loop3A_83 = tpu.vector_load %arg7[%parallel_loop3A_81, %parallel_loop3A_82] {strides = array<i32>} : memref<32x1024xf32, #tpu.memory_space<vmem>>, vector<16xf32>,
      tpu.vector_store %arg7[%parallel_loop3A_81, %parallel_loop3A_82], %parallel_loop3A_77 {strides = array<i32>} : memref<32x1024xf32, #tpu.memory_space<vmem>>, vector<16xf32>,
      %parallel_loop3A_84 = arith.constant 2048 : i32
      %parallel_loop3A_85 = vector.broadcast %parallel_loop3A_84 : i32 to vector<16xi32>
      %parallel_loop3A_86 = arith.addi %parallel_loop3A_43, %parallel_loop3A_85 : vector<16xi32>
      %parallel_loop3A_87 = tpu.vector_load_idx %arg5[%parallel_loop3A_86] : memref<32768xf32, #tpu.memory_space<vmem>>[vector<16xi32>], vector<16xf32>,
      %parallel_loop3A_88 = arith.constant 16 : i32
      %parallel_loop3A_89 = arith.muli %parallel_loop3A_35, %parallel_loop3A_88 : i32
      %parallel_loop3A_90 = arith.constant 4 : i32
      %parallel_loop3A_91 = arith.index_cast %parallel_loop3A_90 : i32 to index
      %parallel_loop3A_92 = arith.index_cast %parallel_loop3A_89 : i32 to index
      %parallel_loop3A_93 = tpu.vector_load %arg7[%parallel_loop3A_91, %parallel_loop3A_92] {strides = array<i32>} : memref<32x1024xf32, #tpu.memory_space<vmem>>, vector<16xf32>,
      tpu.vector_store %arg7[%parallel_loop3A_91, %parallel_loop3A_92], %parallel_loop3A_87 {strides = array<i32>} : memref<32x1024xf32, #tpu.memory_space<vmem>>, vector<16xf32>,
      %parallel_loop3A_94 = arith.constant 2560 : i32
      %parallel_loop3A_95 = vector.broadcast %parallel_loop3A_94 : i32 to vector<16xi32>
      %parallel_loop3A_96 = arith.addi %parallel_loop3A_43, %parallel_loop3A_95 : vector<16xi32>
      %parallel_loop3A_97 = tpu.vector_load_idx %arg5[%parallel_loop3A_96] : memref<32768xf32, #tpu.memory_space<vmem>>[vector<16xi32>], vector<16xf32>,
      %parallel_loop3A_98 = arith.constant 16 : i32
      %parallel_loop3A_99 = arith.muli %parallel_loop3A_35, %parallel_loop3A_98 : i32
      %parallel_loop3A_100 = arith.constant 5 : i32
      %parallel_loop3A_101 = arith.index_cast %parallel_loop3A_100 : i32 to index
      %parallel_loop3A_102 = arith.index_cast %parallel_loop3A_99 : i32 to index
      %parallel_loop3A_103 = tpu.vector_load %arg7[%parallel_loop3A_101, %parallel_loop3A_102] {strides = array<i32>} : memref<32x1024xf32, #tpu.memory_space<vmem>>, vector<16xf32>,
      tpu.vector_store %arg7[%parallel_loop3A_101, %parallel_loop3A_102], %parallel_loop3A_97 {strides = array<i32>} : memref<32x1024xf32, #tpu.memory_space<vmem>>, vector<16xf32>,
      %parallel_loop3A_104 = arith.constant 3072 : i32
      %parallel_loop3A_105 = vector.broadcast %parallel_loop3A_104 : i32 to vector<16xi32>
      %parallel_loop3A_106 = arith.addi %parallel_loop3A_43, %parallel_loop3A_105 : vector<16xi32>
      %parallel_loop3A_107 = tpu.vector_load_idx %arg5[%parallel_loop3A_106] : memref<32768xf32, #tpu.memory_space<vmem>>[vector<16xi32>], vector<16xf32>,
      %parallel_loop3A_108 = arith.constant 16 : i32
      %parallel_loop3A_109 = arith.muli %parallel_loop3A_35, %parallel_loop3A_108 : i32
      %parallel_loop3A_110 = arith.constant 6 : i32
      %parallel_loop3A_111 = arith.index_cast %parallel_loop3A_110 : i32 to index
      %parallel_loop3A_112 = arith.index_cast %parallel_loop3A_109 : i32 to index
      %parallel_loop3A_113 = tpu.vector_load %arg7[%parallel_loop3A_111, %parallel_loop3A_112] {strides = array<i32>} : memref<32x1024xf32, #tpu.memory_space<vmem>>, vector<16xf32>,
      tpu.vector_store %arg7[%parallel_loop3A_111, %parallel_loop3A_112], %parallel_loop3A_107 {strides = array<i32>} : memref<32x1024xf32, #tpu.memory_space<vmem>>, vector<16xf32>,
      %parallel_loop3A_114 = arith.constant 3584 : i32
      %parallel_loop3A_115 = vector.broadcast %parallel_loop3A_114 : i32 to vector<16xi32>
      %parallel_loop3A_116 = arith.addi %parallel_loop3A_43, %parallel_loop3A_115 : vector<16xi32>
      %parallel_loop3A_117 = tpu.vector_load_idx %arg5[%parallel_loop3A_116] : memref<32768xf32, #tpu.memory_space<vmem>>[vector<16xi32>], vector<16xf32>,
      %parallel_loop3A_118 = arith.constant 16 : i32
      %parallel_loop3A_119 = arith.muli %parallel_loop3A_35, %parallel_loop3A_118 : i32
      %parallel_loop3A_120 = arith.constant 7 : i32
      %parallel_loop3A_121 = arith.index_cast %parallel_loop3A_120 : i32 to index
      %parallel_loop3A_122 = arith.index_cast %parallel_loop3A_119 : i32 to index
      %parallel_loop3A_123 = tpu.vector_load %arg7[%parallel_loop3A_121, %parallel_loop3A_122] {strides = array<i32>} : memref<32x1024xf32, #tpu.memory_space<vmem>>, vector<16xf32>,
      tpu.vector_store %arg7[%parallel_loop3A_121, %parallel_loop3A_122], %parallel_loop3A_117 {strides = array<i32>} : memref<32x1024xf32, #tpu.memory_space<vmem>>, vector<16xf32>,
      %parallel_loop3A_124 = arith.constant 4096 : i32
      %parallel_loop3A_125 = vector.broadcast %parallel_loop3A_124 : i32 to vector<16xi32>
      %parallel_loop3A_126 = arith.addi %parallel_loop3A_43, %parallel_loop3A_125 : vector<16xi32>
      %parallel_loop3A_127 = tpu.vector_load_idx %arg5[%parallel_loop3A_126] : memref<32768xf32, #tpu.memory_space<vmem>>[vector<16xi32>], vector<16xf32>,
      %parallel_loop3A_128 = arith.constant 16 : i32
      %parallel_loop3A_129 = arith.muli %parallel_loop3A_35, %parallel_loop3A_128 : i32
      %parallel_loop3A_130 = arith.constant 8 : i32
      %parallel_loop3A_131 = arith.index_cast %parallel_loop3A_130 : i32 to index
      %parallel_loop3A_132 = arith.index_cast %parallel_loop3A_129 : i32 to index
      %parallel_loop3A_133 = tpu.vector_load %arg7[%parallel_loop3A_131, %parallel_loop3A_132] {strides = array<i32>} : memref<32x1024xf32, #tpu.memory_space<vmem>>, vector<16xf32>,
      tpu.vector_store %arg7[%parallel_loop3A_131, %parallel_loop3A_132], %parallel_loop3A_127 {strides = array<i32>} : memref<32x1024xf32, #tpu.memory_space<vmem>>, vector<16xf32>,
      %parallel_loop3A_134 = arith.constant 4608 : i32
      %parallel_loop3A_135 = vector.broadcast %parallel_loop3A_134 : i32 to vector<16xi32>
      %parallel_loop3A_136 = arith.addi %parallel_loop3A_43, %parallel_loop3A_135 : vector<16xi32>
      %parallel_loop3A_137 = tpu.vector_load_idx %arg5[%parallel_loop3A_136] : memref<32768xf32, #tpu.memory_space<vmem>>[vector<16xi32>], vector<16xf32>,
      %parallel_loop3A_138 = arith.constant 16 : i32
      %parallel_loop3A_139 = arith.muli %parallel_loop3A_35, %parallel_loop3A_138 : i32
      %parallel_loop3A_140 = arith.constant 9 : i32
      %parallel_loop3A_141 = arith.index_cast %parallel_loop3A_140 : i32 to index
      %parallel_loop3A_142 = arith.index_cast %parallel_loop3A_139 : i32 to index
      %parallel_loop3A_143 = tpu.vector_load %arg7[%parallel_loop3A_141, %parallel_loop3A_142] {strides = array<i32>} : memref<32x1024xf32, #tpu.memory_space<vmem>>, vector<16xf32>,
      tpu.vector_store %arg7[%parallel_loop3A_141, %parallel_loop3A_142], %parallel_loop3A_137 {strides = array<i32>} : memref<32x1024xf32, #tpu.memory_space<vmem>>, vector<16xf32>,
      %parallel_loop3A_144 = arith.constant 5120 : i32
      %parallel_loop3A_145 = vector.broadcast %parallel_loop3A_144 : i32 to vector<16xi32>
      %parallel_loop3A_146 = arith.addi %parallel_loop3A_43, %parallel_loop3A_145 : vector<16xi32>
      %parallel_loop3A_147 = tpu.vector_load_idx %arg5[%parallel_loop3A_146] : memref<32768xf32, #tpu.memory_space<vmem>>[vector<16xi32>], vector<16xf32>,
      %parallel_loop3A_148 = arith.constant 16 : i32
      %parallel_loop3A_149 = arith.muli %parallel_loop3A_35, %parallel_loop3A_148 : i32
      %parallel_loop3A_150 = arith.constant 10 : i32
      %parallel_loop3A_151 = arith.index_cast %parallel_loop3A_150 : i32 to index
      %parallel_loop3A_152 = arith.index_cast %parallel_loop3A_149 : i32 to index
      %parallel_loop3A_153 = tpu.vector_load %arg7[%parallel_loop3A_151, %parallel_loop3A_152] {strides = array<i32>} : memref<32x1024xf32, #tpu.memory_space<vmem>>, vector<16xf32>,
      tpu.vector_store %arg7[%parallel_loop3A_151, %parallel_loop3A_152], %parallel_loop3A_147 {strides = array<i32>} : memref<32x1024xf32, #tpu.memory_space<vmem>>, vector<16xf32>,
      %parallel_loop3A_154 = arith.constant 5632 : i32
      %parallel_loop3A_155 = vector.broadcast %parallel_loop3A_154 : i32 to vector<16xi32>
      %parallel_loop3A_156 = arith.addi %parallel_loop3A_43, %parallel_loop3A_155 : vector<16xi32>
      %parallel_loop3A_157 = tpu.vector_load_idx %arg5[%parallel_loop3A_156] : memref<32768xf32, #tpu.memory_space<vmem>>[vector<16xi32>], vector<16xf32>,
      %parallel_loop3A_158 = arith.constant 16 : i32
      %parallel_loop3A_159 = arith.muli %parallel_loop3A_35, %parallel_loop3A_158 : i32
      %parallel_loop3A_160 = arith.constant 11 : i32
      %parallel_loop3A_161 = arith.index_cast %parallel_loop3A_160 : i32 to index
      %parallel_loop3A_162 = arith.index_cast %parallel_loop3A_159 : i32 to index
      %parallel_loop3A_163 = tpu.vector_load %arg7[%parallel_loop3A_161, %parallel_loop3A_162] {strides = array<i32>} : memref<32x1024xf32, #tpu.memory_space<vmem>>, vector<16xf32>,
      tpu.vector_store %arg7[%parallel_loop3A_161, %parallel_loop3A_162], %parallel_loop3A_157 {strides = array<i32>} : memref<32x1024xf32, #tpu.memory_space<vmem>>, vector<16xf32>,
      %parallel_loop3A_164 = arith.constant 6144 : i32
      %parallel_loop3A_165 = vector.broadcast %parallel_loop3A_164 : i32 to vector<16xi32>
      %parallel_loop3A_166 = arith.addi %parallel_loop3A_43, %parallel_loop3A_165 : vector<16xi32>
      %parallel_loop3A_167 = tpu.vector_load_idx %arg5[%parallel_loop3A_166] : memref<32768xf32, #tpu.memory_space<vmem>>[vector<16xi32>], vector<16xf32>,
      %parallel_loop3A_168 = arith.constant 16 : i32
      %parallel_loop3A_169 = arith.muli %parallel_loop3A_35, %parallel_loop3A_168 : i32
      %parallel_loop3A_170 = arith.constant 12 : i32
      %parallel_loop3A_171 = arith.index_cast %parallel_loop3A_170 : i32 to index
      %parallel_loop3A_172 = arith.index_cast %parallel_loop3A_169 : i32 to index
      %parallel_loop3A_173 = tpu.vector_load %arg7[%parallel_loop3A_171, %parallel_loop3A_172] {strides = array<i32>} : memref<32x1024xf32, #tpu.memory_space<vmem>>, vector<16xf32>,
      tpu.vector_store %arg7[%parallel_loop3A_171, %parallel_loop3A_172], %parallel_loop3A_167 {strides = array<i32>} : memref<32x1024xf32, #tpu.memory_space<vmem>>, vector<16xf32>,
      %parallel_loop3A_174 = arith.constant 6656 : i32
      %parallel_loop3A_175 = vector.broadcast %parallel_loop3A_174 : i32 to vector<16xi32>
      %parallel_loop3A_176 = arith.addi %parallel_loop3A_43, %parallel_loop3A_175 : vector<16xi32>
      %parallel_loop3A_177 = tpu.vector_load_idx %arg5[%parallel_loop3A_176] : memref<32768xf32, #tpu.memory_space<vmem>>[vector<16xi32>], vector<16xf32>,
      %parallel_loop3A_178 = arith.constant 16 : i32
      %parallel_loop3A_179 = arith.muli %parallel_loop3A_35, %parallel_loop3A_178 : i32
      %parallel_loop3A_180 = arith.constant 13 : i32
      %parallel_loop3A_181 = arith.index_cast %parallel_loop3A_180 : i32 to index
      %parallel_loop3A_182 = arith.index_cast %parallel_loop3A_179 : i32 to index
      %parallel_loop3A_183 = tpu.vector_load %arg7[%parallel_loop3A_181, %parallel_loop3A_182] {strides = array<i32>} : memref<32x1024xf32, #tpu.memory_space<vmem>>, vector<16xf32>,
      tpu.vector_store %arg7[%parallel_loop3A_181, %parallel_loop3A_182], %parallel_loop3A_177 {strides = array<i32>} : memref<32x1024xf32, #tpu.memory_space<vmem>>, vector<16xf32>,
      %parallel_loop3A_184 = arith.constant 7168 : i32
      %parallel_loop3A_185 = vector.broadcast %parallel_loop3A_184 : i32 to vector<16xi32>
      %parallel_loop3A_186 = arith.addi %parallel_loop3A_43, %parallel_loop3A_185 : vector<16xi32>
      %parallel_loop3A_187 = tpu.vector_load_idx %arg5[%parallel_loop3A_186] : memref<32768xf32, #tpu.memory_space<vmem>>[vector<16xi32>], vector<16xf32>,
      %parallel_loop3A_188 = arith.constant 16 : i32
      %parallel_loop3A_189 = arith.muli %parallel_loop3A_35, %parallel_loop3A_188 : i32
      %parallel_loop3A_190 = arith.constant 14 : i32
      %parallel_loop3A_191 = arith.index_cast %parallel_loop3A_190 : i32 to index
      %parallel_loop3A_192 = arith.index_cast %parallel_loop3A_189 : i32 to index
      %parallel_loop3A_193 = tpu.vector_load %arg7[%parallel_loop3A_191, %parallel_loop3A_192] {strides = array<i32>} : memref<32x1024xf32, #tpu.memory_space<vmem>>, vector<16xf32>,
      tpu.vector_store %arg7[%parallel_loop3A_191, %parallel_loop3A_192], %parallel_loop3A_187 {strides = array<i32>} : memref<32x1024xf32, #tpu.memory_space<vmem>>, vector<16xf32>,
      %parallel_loop3A_194 = arith.constant 7680 : i32
      %parallel_loop3A_195 = vector.broadcast %parallel_loop3A_194 : i32 to vector<16xi32>
      %parallel_loop3A_196 = arith.addi %parallel_loop3A_43, %parallel_loop3A_195 : vector<16xi32>
      %parallel_loop3A_197 = tpu.vector_load_idx %arg5[%parallel_loop3A_196] : memref<32768xf32, #tpu.memory_space<vmem>>[vector<16xi32>], vector<16xf32>,
      %parallel_loop3A_198 = arith.constant 16 : i32
      %parallel_loop3A_199 = arith.muli %parallel_loop3A_35, %parallel_loop3A_198 : i32
      %parallel_loop3A_200 = arith.constant 15 : i32
      %parallel_loop3A_201 = arith.index_cast %parallel_loop3A_200 : i32 to index
      %parallel_loop3A_202 = arith.index_cast %parallel_loop3A_199 : i32 to index
      %parallel_loop3A_203 = tpu.vector_load %arg7[%parallel_loop3A_201, %parallel_loop3A_202] {strides = array<i32>} : memref<32x1024xf32, #tpu.memory_space<vmem>>, vector<16xf32>,
      tpu.vector_store %arg7[%parallel_loop3A_201, %parallel_loop3A_202], %parallel_loop3A_197 {strides = array<i32>} : memref<32x1024xf32, #tpu.memory_space<vmem>>, vector<16xf32>,
      %parallel_loop3A_204 = arith.constant 8192 : i32
      %parallel_loop3A_205 = vector.broadcast %parallel_loop3A_204 : i32 to vector<16xi32>
      %parallel_loop3A_206 = arith.addi %parallel_loop3A_43, %parallel_loop3A_205 : vector<16xi32>
      %parallel_loop3A_207 = tpu.vector_load_idx %arg5[%parallel_loop3A_206] : memref<32768xf32, #tpu.memory_space<vmem>>[vector<16xi32>], vector<16xf32>,
      %parallel_loop3A_208 = arith.constant 16 : i32
      %parallel_loop3A_209 = arith.muli %parallel_loop3A_35, %parallel_loop3A_208 : i32
      %parallel_loop3A_210 = arith.constant 16 : i32
      %parallel_loop3A_211 = arith.index_cast %parallel_loop3A_210 : i32 to index
      %parallel_loop3A_212 = arith.index_cast %parallel_loop3A_209 : i32 to index
      %parallel_loop3A_213 = tpu.vector_load %arg7[%parallel_loop3A_211, %parallel_loop3A_212] {strides = array<i32>} : memref<32x1024xf32, #tpu.memory_space<vmem>>, vector<16xf32>,
      tpu.vector_store %arg7[%parallel_loop3A_211, %parallel_loop3A_212], %parallel_loop3A_207 {strides = array<i32>} : memref<32x1024xf32, #tpu.memory_space<vmem>>, vector<16xf32>,
      %parallel_loop3A_214 = arith.constant 8704 : i32
      %parallel_loop3A_215 = vector.broadcast %parallel_loop3A_214 : i32 to vector<16xi32>
      %parallel_loop3A_216 = arith.addi %parallel_loop3A_43, %parallel_loop3A_215 : vector<16xi32>
      %parallel_loop3A_217 = tpu.vector_load_idx %arg5[%parallel_loop3A_216] : memref<32768xf32, #tpu.memory_space<vmem>>[vector<16xi32>], vector<16xf32>,
      %parallel_loop3A_218 = arith.constant 16 : i32
      %parallel_loop3A_219 = arith.muli %parallel_loop3A_35, %parallel_loop3A_218 : i32
      %parallel_loop3A_220 = arith.constant 17 : i32
      %parallel_loop3A_221 = arith.index_cast %parallel_loop3A_220 : i32 to index
      %parallel_loop3A_222 = arith.index_cast %parallel_loop3A_219 : i32 to index
      %parallel_loop3A_223 = tpu.vector_load %arg7[%parallel_loop3A_221, %parallel_loop3A_222] {strides = array<i32>} : memref<32x1024xf32, #tpu.memory_space<vmem>>, vector<16xf32>,
      tpu.vector_store %arg7[%parallel_loop3A_221, %parallel_loop3A_222], %parallel_loop3A_217 {strides = array<i32>} : memref<32x1024xf32, #tpu.memory_space<vmem>>, vector<16xf32>,
      %parallel_loop3A_224 = arith.constant 9216 : i32
      %parallel_loop3A_225 = vector.broadcast %parallel_loop3A_224 : i32 to vector<16xi32>
      %parallel_loop3A_226 = arith.addi %parallel_loop3A_43, %parallel_loop3A_225 : vector<16xi32>
      %parallel_loop3A_227 = tpu.vector_load_idx %arg5[%parallel_loop3A_226] : memref<32768xf32, #tpu.memory_space<vmem>>[vector<16xi32>], vector<16xf32>,
      %parallel_loop3A_228 = arith.constant 16 : i32
      %parallel_loop3A_229 = arith.muli %parallel_loop3A_35, %parallel_loop3A_228 : i32
      %parallel_loop3A_230 = arith.constant 18 : i32
      %parallel_loop3A_231 = arith.index_cast %parallel_loop3A_230 : i32 to index
      %parallel_loop3A_232 = arith.index_cast %parallel_loop3A_229 : i32 to index
      %parallel_loop3A_233 = tpu.vector_load %arg7[%parallel_loop3A_231, %parallel_loop3A_232] {strides = array<i32>} : memref<32x1024xf32, #tpu.memory_space<vmem>>, vector<16xf32>,
      tpu.vector_store %arg7[%parallel_loop3A_231, %parallel_loop3A_232], %parallel_loop3A_227 {strides = array<i32>} : memref<32x1024xf32, #tpu.memory_space<vmem>>, vector<16xf32>,
      %parallel_loop3A_234 = arith.constant 9728 : i32
      %parallel_loop3A_235 = vector.broadcast %parallel_loop3A_234 : i32 to vector<16xi32>
      %parallel_loop3A_236 = arith.addi %parallel_loop3A_43, %parallel_loop3A_235 : vector<16xi32>
      %parallel_loop3A_237 = tpu.vector_load_idx %arg5[%parallel_loop3A_236] : memref<32768xf32, #tpu.memory_space<vmem>>[vector<16xi32>], vector<16xf32>,
      %parallel_loop3A_238 = arith.constant 16 : i32
      %parallel_loop3A_239 = arith.muli %parallel_loop3A_35, %parallel_loop3A_238 : i32
      %parallel_loop3A_240 = arith.constant 19 : i32
      %parallel_loop3A_241 = arith.index_cast %parallel_loop3A_240 : i32 to index
      %parallel_loop3A_242 = arith.index_cast %parallel_loop3A_239 : i32 to index
      %parallel_loop3A_243 = tpu.vector_load %arg7[%parallel_loop3A_241, %parallel_loop3A_242] {strides = array<i32>} : memref<32x1024xf32, #tpu.memory_space<vmem>>, vector<16xf32>,
      tpu.vector_store %arg7[%parallel_loop3A_241, %parallel_loop3A_242], %parallel_loop3A_237 {strides = array<i32>} : memref<32x1024xf32, #tpu.memory_space<vmem>>, vector<16xf32>,
      %parallel_loop3A_244 = arith.constant 10240 : i32
      %parallel_loop3A_245 = vector.broadcast %parallel_loop3A_244 : i32 to vector<16xi32>
      %parallel_loop3A_246 = arith.addi %parallel_loop3A_43, %parallel_loop3A_245 : vector<16xi32>
      %parallel_loop3A_247 = tpu.vector_load_idx %arg5[%parallel_loop3A_246] : memref<32768xf32, #tpu.memory_space<vmem>>[vector<16xi32>], vector<16xf32>,
      %parallel_loop3A_248 = arith.constant 16 : i32
      %parallel_loop3A_249 = arith.muli %parallel_loop3A_35, %parallel_loop3A_248 : i32
      %parallel_loop3A_250 = arith.constant 20 : i32
      %parallel_loop3A_251 = arith.index_cast %parallel_loop3A_250 : i32 to index
      %parallel_loop3A_252 = arith.index_cast %parallel_loop3A_249 : i32 to index
      %parallel_loop3A_253 = tpu.vector_load %arg7[%parallel_loop3A_251, %parallel_loop3A_252] {strides = array<i32>} : memref<32x1024xf32, #tpu.memory_space<vmem>>, vector<16xf32>,
      tpu.vector_store %arg7[%parallel_loop3A_251, %parallel_loop3A_252], %parallel_loop3A_247 {strides = array<i32>} : memref<32x1024xf32, #tpu.memory_space<vmem>>, vector<16xf32>,
      %parallel_loop3A_254 = arith.constant 10752 : i32
      %parallel_loop3A_255 = vector.broadcast %parallel_loop3A_254 : i32 to vector<16xi32>
      %parallel_loop3A_256 = arith.addi %parallel_loop3A_43, %parallel_loop3A_255 : vector<16xi32>
      %parallel_loop3A_257 = tpu.vector_load_idx %arg5[%parallel_loop3A_256] : memref<32768xf32, #tpu.memory_space<vmem>>[vector<16xi32>], vector<16xf32>,
      %parallel_loop3A_258 = arith.constant 16 : i32
      %parallel_loop3A_259 = arith.muli %parallel_loop3A_35, %parallel_loop3A_258 : i32
      %parallel_loop3A_260 = arith.constant 21 : i32
      %parallel_loop3A_261 = arith.index_cast %parallel_loop3A_260 : i32 to index
      %parallel_loop3A_262 = arith.index_cast %parallel_loop3A_259 : i32 to index
      %parallel_loop3A_263 = tpu.vector_load %arg7[%parallel_loop3A_261, %parallel_loop3A_262] {strides = array<i32>} : memref<32x1024xf32, #tpu.memory_space<vmem>>, vector<16xf32>,
      tpu.vector_store %arg7[%parallel_loop3A_261, %parallel_loop3A_262], %parallel_loop3A_257 {strides = array<i32>} : memref<32x1024xf32, #tpu.memory_space<vmem>>, vector<16xf32>,
      %parallel_loop3A_264 = arith.constant 11264 : i32
      %parallel_loop3A_265 = vector.broadcast %parallel_loop3A_264 : i32 to vector<16xi32>
      %parallel_loop3A_266 = arith.addi %parallel_loop3A_43, %parallel_loop3A_265 : vector<16xi32>
      %parallel_loop3A_267 = tpu.vector_load_idx %arg5[%parallel_loop3A_266] : memref<32768xf32, #tpu.memory_space<vmem>>[vector<16xi32>], vector<16xf32>,
      %parallel_loop3A_268 = arith.constant 16 : i32
      %parallel_loop3A_269 = arith.muli %parallel_loop3A_35, %parallel_loop3A_268 : i32
      %parallel_loop3A_270 = arith.constant 22 : i32
      %parallel_loop3A_271 = arith.index_cast %parallel_loop3A_270 : i32 to index
      %parallel_loop3A_272 = arith.index_cast %parallel_loop3A_269 : i32 to index
      %parallel_loop3A_273 = tpu.vector_load %arg7[%parallel_loop3A_271, %parallel_loop3A_272] {strides = array<i32>} : memref<32x1024xf32, #tpu.memory_space<vmem>>, vector<16xf32>,
      tpu.vector_store %arg7[%parallel_loop3A_271, %parallel_loop3A_272], %parallel_loop3A_267 {strides = array<i32>} : memref<32x1024xf32, #tpu.memory_space<vmem>>, vector<16xf32>,
      %parallel_loop3A_274 = arith.constant 11776 : i32
      %parallel_loop3A_275 = vector.broadcast %parallel_loop3A_274 : i32 to vector<16xi32>
      %parallel_loop3A_276 = arith.addi %parallel_loop3A_43, %parallel_loop3A_275 : vector<16xi32>
      %parallel_loop3A_277 = tpu.vector_load_idx %arg5[%parallel_loop3A_276] : memref<32768xf32, #tpu.memory_space<vmem>>[vector<16xi32>], vector<16xf32>,
      %parallel_loop3A_278 = arith.constant 16 : i32
      %parallel_loop3A_279 = arith.muli %parallel_loop3A_35, %parallel_loop3A_278 : i32
      %parallel_loop3A_280 = arith.constant 23 : i32
      %parallel_loop3A_281 = arith.index_cast %parallel_loop3A_280 : i32 to index
      %parallel_loop3A_282 = arith.index_cast %parallel_loop3A_279 : i32 to index
      %parallel_loop3A_283 = tpu.vector_load %arg7[%parallel_loop3A_281, %parallel_loop3A_282] {strides = array<i32>} : memref<32x1024xf32, #tpu.memory_space<vmem>>, vector<16xf32>,
      tpu.vector_store %arg7[%parallel_loop3A_281, %parallel_loop3A_282], %parallel_loop3A_277 {strides = array<i32>} : memref<32x1024xf32, #tpu.memory_space<vmem>>, vector<16xf32>,
      %parallel_loop3A_284 = arith.constant 12288 : i32
      %parallel_loop3A_285 = vector.broadcast %parallel_loop3A_284 : i32 to vector<16xi32>
      %parallel_loop3A_286 = arith.addi %parallel_loop3A_43, %parallel_loop3A_285 : vector<16xi32>
      %parallel_loop3A_287 = tpu.vector_load_idx %arg5[%parallel_loop3A_286] : memref<32768xf32, #tpu.memory_space<vmem>>[vector<16xi32>], vector<16xf32>,
      %parallel_loop3A_288 = arith.constant 16 : i32
      %parallel_loop3A_289 = arith.muli %parallel_loop3A_35, %parallel_loop3A_288 : i32
      %parallel_loop3A_290 = arith.constant 24 : i32
      %parallel_loop3A_291 = arith.index_cast %parallel_loop3A_290 : i32 to index
      %parallel_loop3A_292 = arith.index_cast %parallel_loop3A_289 : i32 to index
      %parallel_loop3A_293 = tpu.vector_load %arg7[%parallel_loop3A_291, %parallel_loop3A_292] {strides = array<i32>} : memref<32x1024xf32, #tpu.memory_space<vmem>>, vector<16xf32>,
      tpu.vector_store %arg7[%parallel_loop3A_291, %parallel_loop3A_292], %parallel_loop3A_287 {strides = array<i32>} : memref<32x1024xf32, #tpu.memory_space<vmem>>, vector<16xf32>,
      %parallel_loop3A_294 = arith.constant 12800 : i32
      %parallel_loop3A_295 = vector.broadcast %parallel_loop3A_294 : i32 to vector<16xi32>
      %parallel_loop3A_296 = arith.addi %parallel_loop3A_43, %parallel_loop3A_295 : vector<16xi32>
      %parallel_loop3A_297 = tpu.vector_load_idx %arg5[%parallel_loop3A_296] : memref<32768xf32, #tpu.memory_space<vmem>>[vector<16xi32>], vector<16xf32>,
      %parallel_loop3A_298 = arith.constant 16 : i32
      %parallel_loop3A_299 = arith.muli %parallel_loop3A_35, %parallel_loop3A_298 : i32
      %parallel_loop3A_300 = arith.constant 25 : i32
      %parallel_loop3A_301 = arith.index_cast %parallel_loop3A_300 : i32 to index
      %parallel_loop3A_302 = arith.index_cast %parallel_loop3A_299 : i32 to index
      %parallel_loop3A_303 = tpu.vector_load %arg7[%parallel_loop3A_301, %parallel_loop3A_302] {strides = array<i32>} : memref<32x1024xf32, #tpu.memory_space<vmem>>, vector<16xf32>,
      tpu.vector_store %arg7[%parallel_loop3A_301, %parallel_loop3A_302], %parallel_loop3A_297 {strides = array<i32>} : memref<32x1024xf32, #tpu.memory_space<vmem>>, vector<16xf32>,
      %parallel_loop3A_304 = arith.constant 13312 : i32
      %parallel_loop3A_305 = vector.broadcast %parallel_loop3A_304 : i32 to vector<16xi32>
      %parallel_loop3A_306 = arith.addi %parallel_loop3A_43, %parallel_loop3A_305 : vector<16xi32>
      %parallel_loop3A_307 = tpu.vector_load_idx %arg5[%parallel_loop3A_306] : memref<32768xf32, #tpu.memory_space<vmem>>[vector<16xi32>], vector<16xf32>,
      %parallel_loop3A_308 = arith.constant 16 : i32
      %parallel_loop3A_309 = arith.muli %parallel_loop3A_35, %parallel_loop3A_308 : i32
      %parallel_loop3A_310 = arith.constant 26 : i32
      %parallel_loop3A_311 = arith.index_cast %parallel_loop3A_310 : i32 to index
      %parallel_loop3A_312 = arith.index_cast %parallel_loop3A_309 : i32 to index
      %parallel_loop3A_313 = tpu.vector_load %arg7[%parallel_loop3A_311, %parallel_loop3A_312] {strides = array<i32>} : memref<32x1024xf32, #tpu.memory_space<vmem>>, vector<16xf32>,
      tpu.vector_store %arg7[%parallel_loop3A_311, %parallel_loop3A_312], %parallel_loop3A_307 {strides = array<i32>} : memref<32x1024xf32, #tpu.memory_space<vmem>>, vector<16xf32>,
      %parallel_loop3A_314 = arith.constant 13824 : i32
      %parallel_loop3A_315 = vector.broadcast %parallel_loop3A_314 : i32 to vector<16xi32>
      %parallel_loop3A_316 = arith.addi %parallel_loop3A_43, %parallel_loop3A_315 : vector<16xi32>
      %parallel_loop3A_317 = tpu.vector_load_idx %arg5[%parallel_loop3A_316] : memref<32768xf32, #tpu.memory_space<vmem>>[vector<16xi32>], vector<16xf32>,
      %parallel_loop3A_318 = arith.constant 16 : i32
      %parallel_loop3A_319 = arith.muli %parallel_loop3A_35, %parallel_loop3A_318 : i32
      %parallel_loop3A_320 = arith.constant 27 : i32
      %parallel_loop3A_321 = arith.index_cast %parallel_loop3A_320 : i32 to index
      %parallel_loop3A_322 = arith.index_cast %parallel_loop3A_319 : i32 to index
      %parallel_loop3A_323 = tpu.vector_load %arg7[%parallel_loop3A_321, %parallel_loop3A_322] {strides = array<i32>} : memref<32x1024xf32, #tpu.memory_space<vmem>>, vector<16xf32>,
      tpu.vector_store %arg7[%parallel_loop3A_321, %parallel_loop3A_322], %parallel_loop3A_317 {strides = array<i32>} : memref<32x1024xf32, #tpu.memory_space<vmem>>, vector<16xf32>,
      %parallel_loop3A_324 = arith.constant 14336 : i32
      %parallel_loop3A_325 = vector.broadcast %parallel_loop3A_324 : i32 to vector<16xi32>
      %parallel_loop3A_326 = arith.addi %parallel_loop3A_43, %parallel_loop3A_325 : vector<16xi32>
      %parallel_loop3A_327 = tpu.vector_load_idx %arg5[%parallel_loop3A_326] : memref<32768xf32, #tpu.memory_space<vmem>>[vector<16xi32>], vector<16xf32>,
      %parallel_loop3A_328 = arith.constant 16 : i32
      %parallel_loop3A_329 = arith.muli %parallel_loop3A_35, %parallel_loop3A_328 : i32
      %parallel_loop3A_330 = arith.constant 28 : i32
      %parallel_loop3A_331 = arith.index_cast %parallel_loop3A_330 : i32 to index
      %parallel_loop3A_332 = arith.index_cast %parallel_loop3A_329 : i32 to index
      %parallel_loop3A_333 = tpu.vector_load %arg7[%parallel_loop3A_331, %parallel_loop3A_332] {strides = array<i32>} : memref<32x1024xf32, #tpu.memory_space<vmem>>, vector<16xf32>,
      tpu.vector_store %arg7[%parallel_loop3A_331, %parallel_loop3A_332], %parallel_loop3A_327 {strides = array<i32>} : memref<32x1024xf32, #tpu.memory_space<vmem>>, vector<16xf32>,
      %parallel_loop3A_334 = arith.constant 14848 : i32
      %parallel_loop3A_335 = vector.broadcast %parallel_loop3A_334 : i32 to vector<16xi32>
      %parallel_loop3A_336 = arith.addi %parallel_loop3A_43, %parallel_loop3A_335 : vector<16xi32>
      %parallel_loop3A_337 = tpu.vector_load_idx %arg5[%parallel_loop3A_336] : memref<32768xf32, #tpu.memory_space<vmem>>[vector<16xi32>], vector<16xf32>,
      %parallel_loop3A_338 = arith.constant 16 : i32
      %parallel_loop3A_339 = arith.muli %parallel_loop3A_35, %parallel_loop3A_338 : i32
      %parallel_loop3A_340 = arith.constant 29 : i32
      %parallel_loop3A_341 = arith.index_cast %parallel_loop3A_340 : i32 to index
      %parallel_loop3A_342 = arith.index_cast %parallel_loop3A_339 : i32 to index
      %parallel_loop3A_343 = tpu.vector_load %arg7[%parallel_loop3A_341, %parallel_loop3A_342] {strides = array<i32>} : memref<32x1024xf32, #tpu.memory_space<vmem>>, vector<16xf32>,
      tpu.vector_store %arg7[%parallel_loop3A_341, %parallel_loop3A_342], %parallel_loop3A_337 {strides = array<i32>} : memref<32x1024xf32, #tpu.memory_space<vmem>>, vector<16xf32>,
      %parallel_loop3A_344 = arith.constant 15360 : i32
      %parallel_loop3A_345 = vector.broadcast %parallel_loop3A_344 : i32 to vector<16xi32>
      %parallel_loop3A_346 = arith.addi %parallel_loop3A_43, %parallel_loop3A_345 : vector<16xi32>
      %parallel_loop3A_347 = tpu.vector_load_idx %arg5[%parallel_loop3A_346] : memref<32768xf32, #tpu.memory_space<vmem>>[vector<16xi32>], vector<16xf32>,
      %parallel_loop3A_348 = arith.constant 16 : i32
      %parallel_loop3A_349 = arith.muli %parallel_loop3A_35, %parallel_loop3A_348 : i32
      %parallel_loop3A_350 = arith.constant 30 : i32
      %parallel_loop3A_351 = arith.index_cast %parallel_loop3A_350 : i32 to index
      %parallel_loop3A_352 = arith.index_cast %parallel_loop3A_349 : i32 to index
      %parallel_loop3A_353 = tpu.vector_load %arg7[%parallel_loop3A_351, %parallel_loop3A_352] {strides = array<i32>} : memref<32x1024xf32, #tpu.memory_space<vmem>>, vector<16xf32>,
      tpu.vector_store %arg7[%parallel_loop3A_351, %parallel_loop3A_352], %parallel_loop3A_347 {strides = array<i32>} : memref<32x1024xf32, #tpu.memory_space<vmem>>, vector<16xf32>,
      %parallel_loop3A_354 = arith.constant 15872 : i32
      %parallel_loop3A_355 = vector.broadcast %parallel_loop3A_354 : i32 to vector<16xi32>
      %parallel_loop3A_356 = arith.addi %parallel_loop3A_43, %parallel_loop3A_355 : vector<16xi32>
      %parallel_loop3A_357 = tpu.vector_load_idx %arg5[%parallel_loop3A_356] : memref<32768xf32, #tpu.memory_space<vmem>>[vector<16xi32>], vector<16xf32>,
      %parallel_loop3A_358 = arith.constant 16 : i32
      %parallel_loop3A_359 = arith.muli %parallel_loop3A_35, %parallel_loop3A_358 : i32
      %parallel_loop3A_360 = arith.constant 31 : i32
      %parallel_loop3A_361 = arith.index_cast %parallel_loop3A_360 : i32 to index
      %parallel_loop3A_362 = arith.index_cast %parallel_loop3A_359 : i32 to index
      %parallel_loop3A_363 = tpu.vector_load %arg7[%parallel_loop3A_361, %parallel_loop3A_362] {strides = array<i32>} : memref<32x1024xf32, #tpu.memory_space<vmem>>, vector<16xf32>,
      tpu.vector_store %arg7[%parallel_loop3A_361, %parallel_loop3A_362], %parallel_loop3A_357 {strides = array<i32>} : memref<32x1024xf32, #tpu.memory_space<vmem>>, vector<16xf32>,
    } {sc.loop_unroll_factor = 4 : i64, sc.parallel_access}
    "tpu.region"() ({
      %run_scoped3A = tpu.sem_alloc : memref<!tpu.dma_semaphore, #tpu.memory_space<semaphore_mem>>
      %dma_start3A = arith.constant 0 : i32
      %dma_start3A_35 = tpu.memref_slice %arg4[%mul3A_2, %dma_start3A] : memref<1024x1024xf32, #tpu.memory_space<hbm>> -> memref<32x1024xf32, #tpu.memory_space<hbm>>
      %dma_start3A_36 = arith.constant 0 : i32
      %dma_start3A_37 = tpu.memref_slice %arg4[%mul3A_2, %dma_start3A_36] : memref<1024x1024xf32, #tpu.memory_space<hbm>> -> memref<32x1024xf32, #tpu.memory_space<hbm>>
      tpu.enqueue_dma source(%arg7 : memref<32x1024xf32, #tpu.memory_space<vmem>>) target(%dma_start3A_37 : memref<32x1024xf32, #tpu.memory_space<hbm>>) target_semaphore(%run_scoped3A : memref<!tpu.dma_semaphore, #tpu.memory_space<semaphore_mem>>)
      %dma_wait3A = arith.constant 0 : i32
      %dma_wait3A_38 = tpu.memref_slice %arg4[%mul3A_2, %dma_wait3A] : memref<1024x1024xf32, #tpu.memory_space<hbm>> -> memref<32x1024xf32, #tpu.memory_space<hbm>>
      %dma_wait3A_39 = arith.constant 0 : i32
      %dma_wait3A_40 = tpu.memref_slice %arg4[%mul3A_2, %dma_wait3A_39] : memref<1024x1024xf32, #tpu.memory_space<hbm>> -> memref<32x1024xf32, #tpu.memory_space<hbm>>
      tpu.wait_dma2 semaphore(%run_scoped3A : memref<!tpu.dma_semaphore, #tpu.memory_space<semaphore_mem>>) src(%arg7 : memref<32x1024xf32, #tpu.memory_space<vmem>>) dst(%dma_wait3A_40 : memref<32x1024xf32, #tpu.memory_space<hbm>>)
      tpu.yield
    }) : () -> ()
    return
  }
}

module attributes {stable_mosaic.version = 14 : i64} {
  func.func @_vq_body(%arg0: i32, %arg1: memref<4x64x1024xf32, #tpu.memory_space<vmem>>, %arg2: memref<512x64xf32, #tpu.memory_space<vmem>>, %arg3: memref<4x8x128xi32, #tpu.memory_space<vmem>>) attributes {dimension_semantics = [#tpu.dimension_semantics<arbitrary>], iteration_bounds = array<i64: 4>, scalar_prefetch = 0 : i64, scratch_operands = 0 : i64, tpu.core_type = #tpu.core_type<tc>, window_params = [{transform_indices = @transform_0, window_bounds = array<i64: 4, 64, 1024>}, {pipeline_mode = #tpu.pipeline_mode<synchronous>, transform_indices = @transform_1, window_bounds = array<i64: 512, 64>}, {transform_indices = @transform_2, window_bounds = array<i64: 4, 8, 128>}]} {
    %get3A = arith.constant 0 : index
    %get3A_0 = arith.constant 0 : index
    %get3A_1 = vector.load %arg2[%get3A, %get3A_0] : memref<512x64xf32, #tpu.memory_space<vmem>>, vector<512x64xf32>
    %mul3A = arith.mulf %get3A_1, %get3A_1 : vector<512x64xf32>
    %reduce_sum3A = arith.constant dense<0.000000e+00> : vector<512xf32>
    %reduce_sum3A_2 = vector.multi_reduction <add>, %mul3A, %reduce_sum3A [1] : vector<512x64xf32> to vector<512xf32>
    %broadcast_in_dim3A = vector.shape_cast %reduce_sum3A_2 : vector<512xf32> to vector<512x1xf32>
    %iota3A = tpu.iota {dimensions = array<i32: 0>} : vector<512x1024xi32>
    %get3A_3 = arith.constant 0 : index
    %get3A_4 = arith.constant 0 : index
    %get3A_5 = arith.constant 0 : index
    %get3A_6 = vector.load %arg1[%get3A_3, %get3A_4, %get3A_5] : memref<4x64x1024xf32, #tpu.memory_space<vmem>>, vector<1x64x1024xf32>
    %get3A_7 = vector.shape_cast %get3A_6 : vector<1x64x1024xf32> to vector<64x1024xf32>
    %dot_general3A = arith.constant dense<0.000000e+00> : vector<512x1024xf32>
    %dot_general3A_8 = tpu.matmul %get3A_1, %get3A_7, %dot_general3A {dimension_numbers = #tpu.dot_dimension_numbers<[1], [0], [0], [1], [0, 0, 1, 1], [], []>, transpose_lhs_hint = false} : vector<512x64xf32>, vector<64x1024xf32>, vector<512x1024xf32> -> vector<512x1024xf32>
    %mul3A_9 = arith.mulf %get3A_7, %get3A_7 : vector<64x1024xf32>
    %slice3A = vector.extract_strided_slice %mul3A_9 {offsets = [0, 0], sizes = [32, 1024], strides = [1, 1]} : vector<64x1024xf32> to vector<32x1024xf32>
    %slice3A_10 = vector.extract_strided_slice %mul3A_9 {offsets = [32, 0], sizes = [32, 1024], strides = [1, 1]} : vector<64x1024xf32> to vector<32x1024xf32>
    %add3A = arith.addf %slice3A, %slice3A_10 : vector<32x1024xf32>
    %slice3A_11 = vector.extract_strided_slice %add3A {offsets = [0, 0], sizes = [16, 1024], strides = [1, 1]} : vector<32x1024xf32> to vector<16x1024xf32>
    %slice3A_12 = vector.extract_strided_slice %add3A {offsets = [16, 0], sizes = [16, 1024], strides = [1, 1]} : vector<32x1024xf32> to vector<16x1024xf32>
    %add3A_13 = arith.addf %slice3A_11, %slice3A_12 : vector<16x1024xf32>
    %slice3A_14 = vector.extract_strided_slice %add3A_13 {offsets = [0, 0], sizes = [8, 1024], strides = [1, 1]} : vector<16x1024xf32> to vector<8x1024xf32>
    %slice3A_15 = vector.extract_strided_slice %add3A_13 {offsets = [8, 0], sizes = [8, 1024], strides = [1, 1]} : vector<16x1024xf32> to vector<8x1024xf32>
    %add3A_16 = arith.addf %slice3A_14, %slice3A_15 : vector<8x1024xf32>
    %slice3A_17 = vector.extract_strided_slice %add3A_16 {offsets = [0, 0], sizes = [4, 1024], strides = [1, 1]} : vector<8x1024xf32> to vector<4x1024xf32>
    %slice3A_18 = vector.extract_strided_slice %add3A_16 {offsets = [4, 0], sizes = [4, 1024], strides = [1, 1]} : vector<8x1024xf32> to vector<4x1024xf32>
    %add3A_19 = arith.addf %slice3A_17, %slice3A_18 : vector<4x1024xf32>
    %slice3A_20 = vector.extract_strided_slice %add3A_19 {offsets = [0, 0], sizes = [2, 1024], strides = [1, 1]} : vector<4x1024xf32> to vector<2x1024xf32>
    %slice3A_21 = vector.extract_strided_slice %add3A_19 {offsets = [2, 0], sizes = [2, 1024], strides = [1, 1]} : vector<4x1024xf32> to vector<2x1024xf32>
    %add3A_22 = arith.addf %slice3A_20, %slice3A_21 : vector<2x1024xf32>
    %slice3A_23 = vector.extract_strided_slice %add3A_22 {offsets = [0, 0], sizes = [1, 1024], strides = [1, 1]} : vector<2x1024xf32> to vector<1x1024xf32>
    %slice3A_24 = vector.extract_strided_slice %add3A_22 {offsets = [1, 0], sizes = [1, 1024], strides = [1, 1]} : vector<2x1024xf32> to vector<1x1024xf32>
    %add3A_25 = arith.addf %slice3A_23, %slice3A_24 : vector<1x1024xf32>
    %mul3A_26 = arith.constant 2.000000e+00 : f32
    %mul3A_27 = vector.broadcast %mul3A_26 : f32 to vector<512x1024xf32>
    %mul3A_28 = arith.mulf %mul3A_27, %dot_general3A_8 : vector<512x1024xf32>
    %sub3A = vector.broadcast %add3A_25 : vector<1x1024xf32> to vector<512x1024xf32>
    %sub3A_29 = arith.subf %sub3A, %mul3A_28 : vector<512x1024xf32>
    %add3A_30 = vector.broadcast %broadcast_in_dim3A : vector<512x1xf32> to vector<512x1024xf32>
    %add3A_31 = arith.addf %sub3A_29, %add3A_30 : vector<512x1024xf32>
    %reduce_min3A = arith.constant dense<0x7F800000> : vector<1024xf32>
    %reduce_min3A_32 = vector.multi_reduction <minimumf>, %add3A_31, %reduce_min3A [0] : vector<512x1024xf32> to vector<1024xf32>
    %broadcast_in_dim3A_33 = vector.shape_cast %reduce_min3A_32 : vector<1024xf32> to vector<1x1024xf32>
    %eq3A = vector.broadcast %broadcast_in_dim3A_33 : vector<1x1024xf32> to vector<512x1024xf32>
    %eq3A_34 = arith.cmpf oeq, %add3A_31, %eq3A : vector<512x1024xf32>
    %jit3A = arith.constant 512 : i32
    %broadcast_in_dim3A_35 = vector.broadcast %jit3A : i32 to vector<512x1024xi32>
    %select_n3A = arith.select %eq3A_34, %iota3A, %broadcast_in_dim3A_35 : vector<512x1024xi1>, vector<512x1024xi32>
    %reduce_min3A_36 = arith.constant dense<2147483647> : vector<1024xi32>
    %reduce_min3A_37 = vector.multi_reduction <minsi>, %select_n3A, %reduce_min3A_36 [0] : vector<512x1024xi32> to vector<1024xi32>
    %reshape3A = vector.shape_cast %reduce_min3A_37 : vector<1024xi32> to vector<8x128xi32>
    %swap3A = arith.constant 0 : index
    %swap3A_38 = arith.constant 0 : index
    %swap3A_39 = arith.constant 0 : index
    %swap3A_40 = vector.load %arg3[%swap3A, %swap3A_38, %swap3A_39] : memref<4x8x128xi32, #tpu.memory_space<vmem>>, vector<1x8x128xi32>
    %swap3A_41 = vector.shape_cast %swap3A_40 : vector<1x8x128xi32> to vector<8x128xi32>
    %swap3A_42 = vector.shape_cast %reshape3A : vector<8x128xi32> to vector<1x8x128xi32>
    tpu.vector_store %arg3[%swap3A, %swap3A_38, %swap3A_39], %swap3A_42 {strides = array<i32>} : memref<4x8x128xi32, #tpu.memory_space<vmem>>, vector<1x8x128xi32>,
    %get3A_43 = arith.constant 1 : index
    %get3A_44 = arith.constant 0 : index
    %get3A_45 = arith.constant 0 : index
    %get3A_46 = vector.load %arg1[%get3A_43, %get3A_44, %get3A_45] : memref<4x64x1024xf32, #tpu.memory_space<vmem>>, vector<1x64x1024xf32>
    %get3A_47 = vector.shape_cast %get3A_46 : vector<1x64x1024xf32> to vector<64x1024xf32>
    %dot_general3A_48 = arith.constant dense<0.000000e+00> : vector<512x1024xf32>
    %dot_general3A_49 = tpu.matmul %get3A_1, %get3A_47, %dot_general3A_48 {dimension_numbers = #tpu.dot_dimension_numbers<[1], [0], [0], [1], [0, 0, 1, 1], [], []>, transpose_lhs_hint = false} : vector<512x64xf32>, vector<64x1024xf32>, vector<512x1024xf32> -> vector<512x1024xf32>
    %mul3A_50 = arith.mulf %get3A_47, %get3A_47 : vector<64x1024xf32>
    %slice3A_51 = vector.extract_strided_slice %mul3A_50 {offsets = [0, 0], sizes = [32, 1024], strides = [1, 1]} : vector<64x1024xf32> to vector<32x1024xf32>
    %slice3A_52 = vector.extract_strided_slice %mul3A_50 {offsets = [32, 0], sizes = [32, 1024], strides = [1, 1]} : vector<64x1024xf32> to vector<32x1024xf32>
    %add3A_53 = arith.addf %slice3A_51, %slice3A_52 : vector<32x1024xf32>
    %slice3A_54 = vector.extract_strided_slice %add3A_53 {offsets = [0, 0], sizes = [16, 1024], strides = [1, 1]} : vector<32x1024xf32> to vector<16x1024xf32>
    %slice3A_55 = vector.extract_strided_slice %add3A_53 {offsets = [16, 0], sizes = [16, 1024], strides = [1, 1]} : vector<32x1024xf32> to vector<16x1024xf32>
    %add3A_56 = arith.addf %slice3A_54, %slice3A_55 : vector<16x1024xf32>
    %slice3A_57 = vector.extract_strided_slice %add3A_56 {offsets = [0, 0], sizes = [8, 1024], strides = [1, 1]} : vector<16x1024xf32> to vector<8x1024xf32>
    %slice3A_58 = vector.extract_strided_slice %add3A_56 {offsets = [8, 0], sizes = [8, 1024], strides = [1, 1]} : vector<16x1024xf32> to vector<8x1024xf32>
    %add3A_59 = arith.addf %slice3A_57, %slice3A_58 : vector<8x1024xf32>
    %slice3A_60 = vector.extract_strided_slice %add3A_59 {offsets = [0, 0], sizes = [4, 1024], strides = [1, 1]} : vector<8x1024xf32> to vector<4x1024xf32>
    %slice3A_61 = vector.extract_strided_slice %add3A_59 {offsets = [4, 0], sizes = [4, 1024], strides = [1, 1]} : vector<8x1024xf32> to vector<4x1024xf32>
    %add3A_62 = arith.addf %slice3A_60, %slice3A_61 : vector<4x1024xf32>
    %slice3A_63 = vector.extract_strided_slice %add3A_62 {offsets = [0, 0], sizes = [2, 1024], strides = [1, 1]} : vector<4x1024xf32> to vector<2x1024xf32>
    %slice3A_64 = vector.extract_strided_slice %add3A_62 {offsets = [2, 0], sizes = [2, 1024], strides = [1, 1]} : vector<4x1024xf32> to vector<2x1024xf32>
    %add3A_65 = arith.addf %slice3A_63, %slice3A_64 : vector<2x1024xf32>
    %slice3A_66 = vector.extract_strided_slice %add3A_65 {offsets = [0, 0], sizes = [1, 1024], strides = [1, 1]} : vector<2x1024xf32> to vector<1x1024xf32>
    %slice3A_67 = vector.extract_strided_slice %add3A_65 {offsets = [1, 0], sizes = [1, 1024], strides = [1, 1]} : vector<2x1024xf32> to vector<1x1024xf32>
    %add3A_68 = arith.addf %slice3A_66, %slice3A_67 : vector<1x1024xf32>
    %mul3A_69 = arith.constant 2.000000e+00 : f32
    %mul3A_70 = vector.broadcast %mul3A_69 : f32 to vector<512x1024xf32>
    %mul3A_71 = arith.mulf %mul3A_70, %dot_general3A_49 : vector<512x1024xf32>
    %sub3A_72 = vector.broadcast %add3A_68 : vector<1x1024xf32> to vector<512x1024xf32>
    %sub3A_73 = arith.subf %sub3A_72, %mul3A_71 : vector<512x1024xf32>
    %add3A_74 = vector.broadcast %broadcast_in_dim3A : vector<512x1xf32> to vector<512x1024xf32>
    %add3A_75 = arith.addf %sub3A_73, %add3A_74 : vector<512x1024xf32>
    %reduce_min3A_76 = arith.constant dense<0x7F800000> : vector<1024xf32>
    %reduce_min3A_77 = vector.multi_reduction <minimumf>, %add3A_75, %reduce_min3A_76 [0] : vector<512x1024xf32> to vector<1024xf32>
    %broadcast_in_dim3A_78 = vector.shape_cast %reduce_min3A_77 : vector<1024xf32> to vector<1x1024xf32>
    %eq3A_79 = vector.broadcast %broadcast_in_dim3A_78 : vector<1x1024xf32> to vector<512x1024xf32>
    %eq3A_80 = arith.cmpf oeq, %add3A_75, %eq3A_79 : vector<512x1024xf32>
    %jit3A_81 = arith.constant 512 : i32
    %broadcast_in_dim3A_82 = vector.broadcast %jit3A_81 : i32 to vector<512x1024xi32>
    %select_n3A_83 = arith.select %eq3A_80, %iota3A, %broadcast_in_dim3A_82 : vector<512x1024xi1>, vector<512x1024xi32>
    %reduce_min3A_84 = arith.constant dense<2147483647> : vector<1024xi32>
    %reduce_min3A_85 = vector.multi_reduction <minsi>, %select_n3A_83, %reduce_min3A_84 [0] : vector<512x1024xi32> to vector<1024xi32>
    %reshape3A_86 = vector.shape_cast %reduce_min3A_85 : vector<1024xi32> to vector<8x128xi32>
    %swap3A_87 = arith.constant 1 : index
    %swap3A_88 = arith.constant 0 : index
    %swap3A_89 = arith.constant 0 : index
    %swap3A_90 = vector.load %arg3[%swap3A_87, %swap3A_88, %swap3A_89] : memref<4x8x128xi32, #tpu.memory_space<vmem>>, vector<1x8x128xi32>
    %swap3A_91 = vector.shape_cast %swap3A_90 : vector<1x8x128xi32> to vector<8x128xi32>
    %swap3A_92 = vector.shape_cast %reshape3A_86 : vector<8x128xi32> to vector<1x8x128xi32>
    tpu.vector_store %arg3[%swap3A_87, %swap3A_88, %swap3A_89], %swap3A_92 {strides = array<i32>} : memref<4x8x128xi32, #tpu.memory_space<vmem>>, vector<1x8x128xi32>,
    %get3A_93 = arith.constant 2 : index
    %get3A_94 = arith.constant 0 : index
    %get3A_95 = arith.constant 0 : index
    %get3A_96 = vector.load %arg1[%get3A_93, %get3A_94, %get3A_95] : memref<4x64x1024xf32, #tpu.memory_space<vmem>>, vector<1x64x1024xf32>
    %get3A_97 = vector.shape_cast %get3A_96 : vector<1x64x1024xf32> to vector<64x1024xf32>
    %dot_general3A_98 = arith.constant dense<0.000000e+00> : vector<512x1024xf32>
    %dot_general3A_99 = tpu.matmul %get3A_1, %get3A_97, %dot_general3A_98 {dimension_numbers = #tpu.dot_dimension_numbers<[1], [0], [0], [1], [0, 0, 1, 1], [], []>, transpose_lhs_hint = false} : vector<512x64xf32>, vector<64x1024xf32>, vector<512x1024xf32> -> vector<512x1024xf32>
    %mul3A_100 = arith.mulf %get3A_97, %get3A_97 : vector<64x1024xf32>
    %slice3A_101 = vector.extract_strided_slice %mul3A_100 {offsets = [0, 0], sizes = [32, 1024], strides = [1, 1]} : vector<64x1024xf32> to vector<32x1024xf32>
    %slice3A_102 = vector.extract_strided_slice %mul3A_100 {offsets = [32, 0], sizes = [32, 1024], strides = [1, 1]} : vector<64x1024xf32> to vector<32x1024xf32>
    %add3A_103 = arith.addf %slice3A_101, %slice3A_102 : vector<32x1024xf32>
    %slice3A_104 = vector.extract_strided_slice %add3A_103 {offsets = [0, 0], sizes = [16, 1024], strides = [1, 1]} : vector<32x1024xf32> to vector<16x1024xf32>
    %slice3A_105 = vector.extract_strided_slice %add3A_103 {offsets = [16, 0], sizes = [16, 1024], strides = [1, 1]} : vector<32x1024xf32> to vector<16x1024xf32>
    %add3A_106 = arith.addf %slice3A_104, %slice3A_105 : vector<16x1024xf32>
    %slice3A_107 = vector.extract_strided_slice %add3A_106 {offsets = [0, 0], sizes = [8, 1024], strides = [1, 1]} : vector<16x1024xf32> to vector<8x1024xf32>
    %slice3A_108 = vector.extract_strided_slice %add3A_106 {offsets = [8, 0], sizes = [8, 1024], strides = [1, 1]} : vector<16x1024xf32> to vector<8x1024xf32>
    %add3A_109 = arith.addf %slice3A_107, %slice3A_108 : vector<8x1024xf32>
    %slice3A_110 = vector.extract_strided_slice %add3A_109 {offsets = [0, 0], sizes = [4, 1024], strides = [1, 1]} : vector<8x1024xf32> to vector<4x1024xf32>
    %slice3A_111 = vector.extract_strided_slice %add3A_109 {offsets = [4, 0], sizes = [4, 1024], strides = [1, 1]} : vector<8x1024xf32> to vector<4x1024xf32>
    %add3A_112 = arith.addf %slice3A_110, %slice3A_111 : vector<4x1024xf32>
    %slice3A_113 = vector.extract_strided_slice %add3A_112 {offsets = [0, 0], sizes = [2, 1024], strides = [1, 1]} : vector<4x1024xf32> to vector<2x1024xf32>
    %slice3A_114 = vector.extract_strided_slice %add3A_112 {offsets = [2, 0], sizes = [2, 1024], strides = [1, 1]} : vector<4x1024xf32> to vector<2x1024xf32>
    %add3A_115 = arith.addf %slice3A_113, %slice3A_114 : vector<2x1024xf32>
    %slice3A_116 = vector.extract_strided_slice %add3A_115 {offsets = [0, 0], sizes = [1, 1024], strides = [1, 1]} : vector<2x1024xf32> to vector<1x1024xf32>
    %slice3A_117 = vector.extract_strided_slice %add3A_115 {offsets = [1, 0], sizes = [1, 1024], strides = [1, 1]} : vector<2x1024xf32> to vector<1x1024xf32>
    %add3A_118 = arith.addf %slice3A_116, %slice3A_117 : vector<1x1024xf32>
    %mul3A_119 = arith.constant 2.000000e+00 : f32
    %mul3A_120 = vector.broadcast %mul3A_119 : f32 to vector<512x1024xf32>
    %mul3A_121 = arith.mulf %mul3A_120, %dot_general3A_99 : vector<512x1024xf32>
    %sub3A_122 = vector.broadcast %add3A_118 : vector<1x1024xf32> to vector<512x1024xf32>
    %sub3A_123 = arith.subf %sub3A_122, %mul3A_121 : vector<512x1024xf32>
    %add3A_124 = vector.broadcast %broadcast_in_dim3A : vector<512x1xf32> to vector<512x1024xf32>
    %add3A_125 = arith.addf %sub3A_123, %add3A_124 : vector<512x1024xf32>
    %reduce_min3A_126 = arith.constant dense<0x7F800000> : vector<1024xf32>
    %reduce_min3A_127 = vector.multi_reduction <minimumf>, %add3A_125, %reduce_min3A_126 [0] : vector<512x1024xf32> to vector<1024xf32>
    %broadcast_in_dim3A_128 = vector.shape_cast %reduce_min3A_127 : vector<1024xf32> to vector<1x1024xf32>
    %eq3A_129 = vector.broadcast %broadcast_in_dim3A_128 : vector<1x1024xf32> to vector<512x1024xf32>
    %eq3A_130 = arith.cmpf oeq, %add3A_125, %eq3A_129 : vector<512x1024xf32>
    %jit3A_131 = arith.constant 512 : i32
    %broadcast_in_dim3A_132 = vector.broadcast %jit3A_131 : i32 to vector<512x1024xi32>
    %select_n3A_133 = arith.select %eq3A_130, %iota3A, %broadcast_in_dim3A_132 : vector<512x1024xi1>, vector<512x1024xi32>
    %reduce_min3A_134 = arith.constant dense<2147483647> : vector<1024xi32>
    %reduce_min3A_135 = vector.multi_reduction <minsi>, %select_n3A_133, %reduce_min3A_134 [0] : vector<512x1024xi32> to vector<1024xi32>
    %reshape3A_136 = vector.shape_cast %reduce_min3A_135 : vector<1024xi32> to vector<8x128xi32>
    %swap3A_137 = arith.constant 2 : index
    %swap3A_138 = arith.constant 0 : index
    %swap3A_139 = arith.constant 0 : index
    %swap3A_140 = vector.load %arg3[%swap3A_137, %swap3A_138, %swap3A_139] : memref<4x8x128xi32, #tpu.memory_space<vmem>>, vector<1x8x128xi32>
    %swap3A_141 = vector.shape_cast %swap3A_140 : vector<1x8x128xi32> to vector<8x128xi32>
    %swap3A_142 = vector.shape_cast %reshape3A_136 : vector<8x128xi32> to vector<1x8x128xi32>
    tpu.vector_store %arg3[%swap3A_137, %swap3A_138, %swap3A_139], %swap3A_142 {strides = array<i32>} : memref<4x8x128xi32, #tpu.memory_space<vmem>>, vector<1x8x128xi32>,
    %get3A_143 = arith.constant 3 : index
    %get3A_144 = arith.constant 0 : index
    %get3A_145 = arith.constant 0 : index
    %get3A_146 = vector.load %arg1[%get3A_143, %get3A_144, %get3A_145] : memref<4x64x1024xf32, #tpu.memory_space<vmem>>, vector<1x64x1024xf32>
    %get3A_147 = vector.shape_cast %get3A_146 : vector<1x64x1024xf32> to vector<64x1024xf32>
    %dot_general3A_148 = arith.constant dense<0.000000e+00> : vector<512x1024xf32>
    %dot_general3A_149 = tpu.matmul %get3A_1, %get3A_147, %dot_general3A_148 {dimension_numbers = #tpu.dot_dimension_numbers<[1], [0], [0], [1], [0, 0, 1, 1], [], []>, transpose_lhs_hint = false} : vector<512x64xf32>, vector<64x1024xf32>, vector<512x1024xf32> -> vector<512x1024xf32>
    %mul3A_150 = arith.mulf %get3A_147, %get3A_147 : vector<64x1024xf32>
    %slice3A_151 = vector.extract_strided_slice %mul3A_150 {offsets = [0, 0], sizes = [32, 1024], strides = [1, 1]} : vector<64x1024xf32> to vector<32x1024xf32>
    %slice3A_152 = vector.extract_strided_slice %mul3A_150 {offsets = [32, 0], sizes = [32, 1024], strides = [1, 1]} : vector<64x1024xf32> to vector<32x1024xf32>
    %add3A_153 = arith.addf %slice3A_151, %slice3A_152 : vector<32x1024xf32>
    %slice3A_154 = vector.extract_strided_slice %add3A_153 {offsets = [0, 0], sizes = [16, 1024], strides = [1, 1]} : vector<32x1024xf32> to vector<16x1024xf32>
    %slice3A_155 = vector.extract_strided_slice %add3A_153 {offsets = [16, 0], sizes = [16, 1024], strides = [1, 1]} : vector<32x1024xf32> to vector<16x1024xf32>
    %add3A_156 = arith.addf %slice3A_154, %slice3A_155 : vector<16x1024xf32>
    %slice3A_157 = vector.extract_strided_slice %add3A_156 {offsets = [0, 0], sizes = [8, 1024], strides = [1, 1]} : vector<16x1024xf32> to vector<8x1024xf32>
    %slice3A_158 = vector.extract_strided_slice %add3A_156 {offsets = [8, 0], sizes = [8, 1024], strides = [1, 1]} : vector<16x1024xf32> to vector<8x1024xf32>
    %add3A_159 = arith.addf %slice3A_157, %slice3A_158 : vector<8x1024xf32>
    %slice3A_160 = vector.extract_strided_slice %add3A_159 {offsets = [0, 0], sizes = [4, 1024], strides = [1, 1]} : vector<8x1024xf32> to vector<4x1024xf32>
    %slice3A_161 = vector.extract_strided_slice %add3A_159 {offsets = [4, 0], sizes = [4, 1024], strides = [1, 1]} : vector<8x1024xf32> to vector<4x1024xf32>
    %add3A_162 = arith.addf %slice3A_160, %slice3A_161 : vector<4x1024xf32>
    %slice3A_163 = vector.extract_strided_slice %add3A_162 {offsets = [0, 0], sizes = [2, 1024], strides = [1, 1]} : vector<4x1024xf32> to vector<2x1024xf32>
    %slice3A_164 = vector.extract_strided_slice %add3A_162 {offsets = [2, 0], sizes = [2, 1024], strides = [1, 1]} : vector<4x1024xf32> to vector<2x1024xf32>
    %add3A_165 = arith.addf %slice3A_163, %slice3A_164 : vector<2x1024xf32>
    %slice3A_166 = vector.extract_strided_slice %add3A_165 {offsets = [0, 0], sizes = [1, 1024], strides = [1, 1]} : vector<2x1024xf32> to vector<1x1024xf32>
    %slice3A_167 = vector.extract_strided_slice %add3A_165 {offsets = [1, 0], sizes = [1, 1024], strides = [1, 1]} : vector<2x1024xf32> to vector<1x1024xf32>
    %add3A_168 = arith.addf %slice3A_166, %slice3A_167 : vector<1x1024xf32>
    %mul3A_169 = arith.constant 2.000000e+00 : f32
    %mul3A_170 = vector.broadcast %mul3A_169 : f32 to vector<512x1024xf32>
    %mul3A_171 = arith.mulf %mul3A_170, %dot_general3A_149 : vector<512x1024xf32>
    %sub3A_172 = vector.broadcast %add3A_168 : vector<1x1024xf32> to vector<512x1024xf32>
    %sub3A_173 = arith.subf %sub3A_172, %mul3A_171 : vector<512x1024xf32>
    %add3A_174 = vector.broadcast %broadcast_in_dim3A : vector<512x1xf32> to vector<512x1024xf32>
    %add3A_175 = arith.addf %sub3A_173, %add3A_174 : vector<512x1024xf32>
    %reduce_min3A_176 = arith.constant dense<0x7F800000> : vector<1024xf32>
    %reduce_min3A_177 = vector.multi_reduction <minimumf>, %add3A_175, %reduce_min3A_176 [0] : vector<512x1024xf32> to vector<1024xf32>
    %broadcast_in_dim3A_178 = vector.shape_cast %reduce_min3A_177 : vector<1024xf32> to vector<1x1024xf32>
    %eq3A_179 = vector.broadcast %broadcast_in_dim3A_178 : vector<1x1024xf32> to vector<512x1024xf32>
    %eq3A_180 = arith.cmpf oeq, %add3A_175, %eq3A_179 : vector<512x1024xf32>
    %jit3A_181 = arith.constant 512 : i32
    %broadcast_in_dim3A_182 = vector.broadcast %jit3A_181 : i32 to vector<512x1024xi32>
    %select_n3A_183 = arith.select %eq3A_180, %iota3A, %broadcast_in_dim3A_182 : vector<512x1024xi1>, vector<512x1024xi32>
    %reduce_min3A_184 = arith.constant dense<2147483647> : vector<1024xi32>
    %reduce_min3A_185 = vector.multi_reduction <minsi>, %select_n3A_183, %reduce_min3A_184 [0] : vector<512x1024xi32> to vector<1024xi32>
    %reshape3A_186 = vector.shape_cast %reduce_min3A_185 : vector<1024xi32> to vector<8x128xi32>
    %swap3A_187 = arith.constant 3 : index
    %swap3A_188 = arith.constant 0 : index
    %swap3A_189 = arith.constant 0 : index
    %swap3A_190 = vector.load %arg3[%swap3A_187, %swap3A_188, %swap3A_189] : memref<4x8x128xi32, #tpu.memory_space<vmem>>, vector<1x8x128xi32>
    %swap3A_191 = vector.shape_cast %swap3A_190 : vector<1x8x128xi32> to vector<8x128xi32>
    %swap3A_192 = vector.shape_cast %reshape3A_186 : vector<8x128xi32> to vector<1x8x128xi32>
    tpu.vector_store %arg3[%swap3A_187, %swap3A_188, %swap3A_189], %swap3A_192 {strides = array<i32>} : memref<4x8x128xi32, #tpu.memory_space<vmem>>, vector<1x8x128xi32>,
    return
  }
  func.func @transform_0(%arg0: i32) -> (i32, i32, i32) {
    %c0_i32 = arith.constant 0 : i32
    %c0_i32_0 = arith.constant 0 : i32
    %c0_i32_1 = arith.constant 0 : i32
    return %arg0, %c0_i32, %c0_i32_0 : i32, i32, i32
  }
  func.func @transform_1(%arg0: i32) -> (i32, i32) {
    %c0_i32 = arith.constant 0 : i32
    %c0_i32_0 = arith.constant 0 : i32
    %c0_i32_1 = arith.constant 0 : i32
    return %c0_i32, %c0_i32_0 : i32, i32
  }
  func.func @transform_2(%arg0: i32) -> (i32, i32, i32) {
    %c0_i32 = arith.constant 0 : i32
    %c0_i32_0 = arith.constant 0 : i32
    %c0_i32_1 = arith.constant 0 : i32
    return %arg0, %c0_i32, %c0_i32_0 : i32, i32, i32
  }
}

</mosaic_0001>

<sc_bundles>
// kernel: kernel.4.cloned.1.call-start
scs
__scs_entry_jumppad:
0x0: {  	(pc) =	sbr.rel $0x88, $3  }
0x1: {  	(tag) =	ssettag $0x0;
	lr =	simm.s32 $0x1  }
0x2: {  	[smem:$0x3F9F] =	sst lr;
	_ =	strace $0xD0000000  }
0x3: {  	_ = 	snop  }
0x4: {  	_ = 	snop  }
0x5: {  	_ = 	snop  }
0x6: {  	_ = 	snop  }
0x7: {  	_ = 	snop  }
__scs_overlays_trampoline_lowered:
0x8: {  	[smem:$0x3FAE] =	sst s0  }
0x9: {  	[smem:$0x3FAF] =	sst s1  }
0xa: {  	[smem:$0x3FB0] =	sst s2  }
0xb: {  	[smem:$0x3FB1] =	sst s3  }
0xc: {  	[smem:$0x3FB2] =	sst s4  }
0xd: {  	[smem:$0x3FB3] =	sst s5  }
0xe: {  	[smem:$0x3FB4] =	sst s6  }
0xf: {  	[smem:$0x3FB5] =	sst s7  }
0x10: {  	[smem:$0x3FB6] =	sst s8  }
0x11: {  	[smem:$0x3FB7] =	sst s9;
	s0 =	simm.s32 @!p0 $0x0  }
0x12: {  	s1 =	sld [smem:$0x3F9D];
	s0 =	simm.s32 @p0 $0x1  }
0x13: {  	[smem:$0x3FB8] =	sst s0;
	s0 =	simm.s32 @!p1 $0x0  }
0x14: {  	s2 =	sld [smem:$0x3F9C];
	s0 =	simm.s32 @p1 $0x1  }
0x15: {  	[smem:$0x3FB9] =	sst s0;
	s0 =	simm.s32 @!p2 $0x0  }
0x16: {  	s3 =	sld [smem:$0x3FDB];
	s0 =	simm.s32 @p2 $0x1  }
0x17: {  	s4 =	simm.s32 $0x1BF5;
	[smem:$0x3FBB] =	sst s0  }
0x18: {  	s0 =	sld [smem:$0x3F9E];
	_ =	swait.ge [sflag:s4], $0x0  }
0x19: {  	s7 =	sld [smem:$0x3F9F]  }
0x1a: {  	s8 =	sadd.s32 $0xFFFFE003, lr  }
0x1b: {  	s9 =	sadd.s32 $0xFFFFFEF7, lr;
	s5 =	simm.s32 $0xFFFFFFFF;
	p2 =	slt.u32 s8, $0xFFFFF086  }
0x1c: {  	p1 =	slt.u32 s9, $0xF7A;
	s5 =	simm.s32 @!p2 $0x0  }
0x1d: {  	s5 =	simm.s32 @p1 $0x1;
	p0 =	seq.s32 s7, s2  }
0x1e: {  	s7 =	smul.u32 @!p0 $0xF7A, s2;
	p2 =	seq.s32 @!p0 s5, $0x0  }
0x1f: {  	s9 =	smul.u32 $0xF7A, s1;
	s8 =	simm.s32 @!p0 $0x1BF5;
	p2 =	por !p2, p0  }
0x20: {  	[sflag:s8] =	ssyncset.s32 @!p0 $0xFFFFF086;
	s6 =	sadd.s32 @!p0 s3, s7;
	s7 =	simm.s32 @!p0 $0x108  }
0x21: {  	s3 =	sadd.s32 s3, s9;
	s6 =	sadd.s32 @!p0 $0x88, s6;
	s7 =	simm.s32 @p2 $0x1082  }
0x22: {  	[simem:s7], [sflag:s8] =	dma.local @!p0 [hbm:s6], $0xF7A  }
0x23: {  	s9 =	sor.u32 $0xD0000000, s2;
	s6 =	simm.s32 $0x108;
	_ =	swait.ge @!p0 [sflag:s8], $0x0  }
0x24: {  	s3 =	sadd.s32 $0x88, s3;
	s6 =	simm.s32 @!p1 $0x1082;
	[sflag:s4] =	ssyncset.s32 $0xFFFFF086  }
0x25: {  	[simem:s6], [sflag:s4] =	dma.local [hbm:s3], $0xF7A  }
0x26: {  	[smem:$0x3F9F] =	sst s1;
	(tag) =	ssettag s2;
	_ =	strace s9  }
0x27: {  	s1 =	sld [smem:$0x3FAF]  }
0x28: {  	s2 =	sld [smem:$0x3FB0]  }
0x29: {  	s4 =	sld [smem:$0x3FB2]  }
0x2a: {  	p0 =	seq.s32 s5, $0x0;
	s5 =	sld [smem:$0x3FB3]  }
0x2b: {  	s6 =	sld [smem:$0x3FB4]  }
0x2c: {  	s7 =	sld [smem:$0x3FB5]  }
0x2d: {  	s3 =	simm.s32 $0x108;
	s8 =	sld [smem:$0x3FB6]  }
0x2e: {  	s3 =	simm.s32 @!p0 $0x1082;
	s9 =	sld [smem:$0x3FB7]  }
0x2f: {  	lr =	sadd.s32 s0, s3;
	s0 =	sld [smem:$0x3FAE]  }
0x30: {  	s3 =	sld [smem:$0x3FB1]  }
0x31: {  	[smem:$0x3FBA] =	sst s10  }
0x32: {  	s10 =	sld [smem:$0x3FB8];
	_ =	sdelay $0x3  }
0x33: {  	p0 =	seq.s32 s10, $0x1;
	s10 =	sld [smem:$0x3FBA];
	_ =	sdelay $0x3  }
0x34: {  	[smem:$0x3FBA] =	sst s10  }
0x35: {  	s10 =	sld [smem:$0x3FB9];
	_ =	sdelay $0x3  }
0x36: {  	p1 =	seq.s32 s10, $0x1;
	s10 =	sld [smem:$0x3FBA];
	_ =	sdelay $0x3  }
0x37: {  	[smem:$0x3FBA] =	sst s10  }
0x38: {  	s10 =	sld [smem:$0x3FBB]  }
0x39: {  	_ = 	snop;
	(pc) =	sbr.ind lr, $3  }
0x3a: {  	_ = 	snop  }
0x3b: {  	_ = 	snop  }
0x3c: {  	p2 =	seq.s32 s10, $0x1;
	s10 =	sld [smem:$0x3FBA]  }
0x3d: {  	_ =	shalt  }
0x3e: {  	_ =	shalt  }
0x3f: {  	_ =	shalt  }
0x40: {  	_ =	shalt  }
0x41: {  	_ =	shalt  }
0x42: {  	_ =	shalt  }
0x43: {  	_ =	shalt  }
0x44: {  	_ =	shalt  }
0x45: {  	_ =	shalt  }
0x46: {  	_ =	shalt  }
0x47: {  	_ =	shalt  }
0x48: {  	_ =	shalt  }
0x49: {  	_ =	shalt  }
0x4a: {  	_ =	shalt  }
0x4b: {  	_ =	shalt  }
0x4c: {  	_ =	shalt  }
0x4d: {  	_ =	shalt  }
0x4e: {  	_ =	shalt  }
0x4f: {  	_ =	shalt  }
0x50: {  	_ =	shalt  }
0x51: {  	_ =	shalt  }
0x52: {  	_ =	shalt  }
0x53: {  	_ =	shalt  }
0x54: {  	_ =	shalt  }
0x55: {  	_ =	shalt  }
0x56: {  	_ =	shalt  }
0x57: {  	_ =	shalt  }
0x58: {  	_ =	shalt  }
0x59: {  	_ =	shalt  }
0x5a: {  	_ =	shalt  }
0x5b: {  	_ =	shalt  }
0x5c: {  	_ =	shalt  }
0x5d: {  	_ =	shalt  }
0x5e: {  	_ =	shalt  }
0x5f: {  	_ =	shalt  }
0x60: {  	_ =	shalt  }
0x61: {  	_ =	shalt  }
0x62: {  	_ =	shalt  }
0x63: {  	_ =	shalt  }
0x64: {  	_ =	shalt  }
0x65: {  	_ =	shalt  }
0x66: {  	_ =	shalt  }
0x67: {  	_ =	shalt  }
0x68: {  	_ =	shalt  }
0x69: {  	_ =	shalt  }
0x6a: {  	_ =	shalt  }
0x6b: {  	_ =	shalt  }
0x6c: {  	_ =	shalt  }
0x6d: {  	_ =	shalt  }
0x6e: {  	_ =	shalt  }
0x6f: {  	_ =	shalt  }
0x70: {  	_ =	shalt  }
0x71: {  	_ =	shalt  }
0x72: {  	_ =	shalt  }
0x73: {  	_ =	shalt  }
0x74: {  	_ =	shalt  }
0x75: {  	_ =	shalt  }
0x76: {  	_ =	shalt  }
0x77: {  	_ =	shalt  }
0x78: {  	_ =	shalt  }
0x79: {  	_ =	shalt  }
0x7a: {  	_ =	shalt  }
0x7b: {  	_ =	shalt  }
0x7c: {  	_ =	shalt  }
0x7d: {  	_ =	shalt  }
0x7e: {  	_ =	shalt  }
0x7f: {  	_ =	shalt  }
0x80: {  	_ =	shalt  }
0x81: {  	_ =	shalt  }
0x82: {  	_ =	shalt  }
0x83: {  	_ =	shalt  }
0x84: {  	_ =	shalt  }
0x85: {  	_ =	shalt  }
0x86: {  	_ =	shalt  }
0x87: {  	_ =	shalt  }
.Lfunc_end0:
.L_simem_size_0:
called_computation_lowered:
.L_overlay_start_0:
0x88: {  	s2 =	sld [smem:$0x3FD9]  }
0x89: {  	s3 =	sld [smem:$0x3FFE];
	_ =	sdelay $0x1  }
0x8a: {  	s1 =	srdreg.scid  }
0x8b: {  	s0 =	sand.u32 $0x1, s1  }
0x8c: {  	s14 =	sshll.u32 s0, $0xA;
	s2 =	sadd.s32 s3, s2  }
0x8d: {  	s2 =	sadd.s32 s2, s14  }
0x8e: {  	[smem:$0x3FC6] =	sst s2  }
0x8f: {  	_ = 	snop  }
0x90: {  	s2 =	sld [smem:$0x3FD0];
	_ =	sdelay $0x2  }
0x91: {  	s15 =	simm.s32 $0xA;
	s4 =	simm.s32 $0x10  }
0x92: {  	[smem:s4], [sflag:s15] =	dma.local [hbm:s2], $0x1  }
0x93: {  	_ =	swait.eq [sflag:s15], $0x1  }
0x94: {  	[sflag:s15] =	ssyncset.done $0x0  }
0x95: {  	s16 =	sld [smem:$0x10];
	[sflag:s15] =	ssyncadd.s32 $0xFFFFFFFF  }
0x96: {  	s17 =	sld [smem:$0x11];
	(tm) =	ssettm $0x1  }
0x97: {  	s18 =	sld [smem:$0x3FFB];
	_ =	sdelay $0x3  }
0x98: {  	_ =	strace s18  }
0x99: {  	s4 =	sld [smem:$0x3FFC];
	_ =	sdelay $0x3  }
0x9a: {  	_ =	strace s4  }
0x9b: {  	s4 =	sld [smem:$0x3FFD];
	_ =	sdelay $0x3  }
0x9c: {  	_ =	strace s4  }
0x9d: {  	_ =	strace $0x8FFFFFFF  }
0x9e: {  	s19 =	sld [smem:$0x3FDB];
	_ =	sdelay $0x1  }
0x9f: {  	s5 =	simm.s32 $_scs_section_size  }
0xa0: {  	s6 =	simm.s32 $_size__tile_overlayer_lowered;
	s7 =	simm.s32 $_tile_overlayer_lowered  }
0xa1: {  	s22 =	simm.s32 $0x1BFF;
	s21 =	sshll.u32 s7, $0x1;
	s4 =	sadd.s32 s5, s19  }
0xa2: {  	s8 =	simm.s32 $0x0;
	s20 =	sshll.u32 s6, $0x1;
	s6 =	sadd.s32 s21, s4  }
0xa3: {  	[timem:s8], [sflag:s22] =	dma.local [hbm:s6], s20  }
0xa4: {  	_ =	swait.ge [sflag:s22], s20  }
0xa5: {  	s5 =	ssub.s32 $0x0, s20;
	[sflag:s22] =	ssyncset.done $0x0  }
0xa6: {  	[sflag:s22] =	ssyncadd.s32 s5;
	_ =	sdelay $0x1  }
0xa7: {  	s23 =	simm.s32 $0x1B8B  }
0xa8: {  	_ =	swait.ge [sflag:s23], $0x1  }
0xa9: {  	[sflag:s23] =	ssyncset.done $0x0  }
0xaa: {  	s25 =	simm.s32 $0x1B8E;
	s24 =	sld [smem:$0x3FFE];
	[sflag:s23] =	ssyncadd.s32 $0xFFFFFFFF  }
0xab: {  	s26 =	simm.s32 $execute0_lowered;
	[smem:$0x3FD2] =	sst s25  }
0xac: {  	s6 =	sshll.u32 s26, $0x1;
	_ =	strace $0x80000046;
	[dreg:$0x1] =	wrdreg $0xFFFFFFFF  }
0xad: {  	s28 =	simm.s32 $_size_execute0_lowered;
	s4 =	sadd.s32 s4, s6;
	[dreg:$0x0] =	wrdreg $0x0  }
0xae: {  	s6 =	sshll.u32 s28, $0x1;
	[dreg:$0x2] =	wrdreg s4  }
0xaf: {  	[dreg:$0x3] =	wrdreg s6  }
0xb0: {  	[dreg:$0x4] =	wrdreg $0xC0  }
0xb1: {  	_ =	task [dreg:s8], $0x5FFFF  }
0xb2: {  	[dreg:$0x1] =	wrdreg $0xFFFFFFFF  }
0xb3: {  	[dreg:$0x0] =	wrdreg $0x60  }
0xb4: {  	[dreg:$0x2] =	wrdreg s24  }
0xb5: {  	[dreg:$0x3] =	wrdreg s17  }
0xb6: {  	[dreg:$0x4] =	wrdreg s16  }
0xb7: {  	[dreg:$0x5] =	wrdreg $0x9  }
0xb8: {  	_ =	task.clear_ibuf [dreg:s8], $0x6FFFF;
	_ =	strace $0x90000046  }
0xb9: {  	s29 =	simm.s32 $0x9;
	_ =	strace $0x80000048  }
0xba: {  	_ =	swait.ge [sflag:s29], $0x1  }
0xbb: {  	[sflag:s29] =	ssyncadd.s32 $0xFFFFFFFF  }
0xbc: {  	_ =	strace $0x90000048  }
0xbd: {  	_ =	sfence  }
0xbe: {  	s30 =	sld [smem:$0x0];
	_ =	sdelay $0x2  }
0xbf: {  	s31 =	sshll.u32 s1, $0xD;
	s1 =	sshrl.u32 s1, $0x2  }
0xc0: {  	s3 =	sand.u32 $0x4000, s31;
	s1 =	sadd.s32 s1, s30  }
0xc1: {  	s0 =	sor.u32 s3, s0;
	s1 =	sshll.u32 s1, $0x11  }
0xc2: {  	s0 =	sor.u32 s1, s0  }
0xc3: {  	s0 =	sadd.s32 $0x8F2B, s0  }
0xc4: {  	[sflag:s0] =	ssyncadd.remote.s32 $0x1  }
0xc5: {  	_ =	sfence.sel $0xFFFF  }
0xc6: {  	[dreg:$0x0] =	wrdreg $0xFFFFFFFF;
	(pc) =	sbr.abs _section_cstart, $3  }
0xc7: {  	[dreg:$0x1] =	wrdreg $0xFFFFFFFF  }
0xc8: {  	_ =	task.clear_ibuf [dreg:s8], $0x2FFFF;
	_ =	strace $0x9FFFFFFF  }
0xc9: {  	(tm) =	ssettm $0x7FFFFFFF  }
tec
execute0_lowered:
.L_overlay_start_1:
0x0: {  	(tag) =	ssettag $0x1  }
0x1: {  	s1 =	srdreg.scid;
	s3 =	rddreg [dreg:$0x0]  }
0x2: {  	s0 =	stileid.u32;
	s5 =	rddreg [dreg:$0x1];
	s6 =	sand.u32 $0x1, s1  }
0x3: {  	s8 =	rddreg [dreg:$0x2];
	s29 =	sshll.u32 s0, $0x6;
	s2 =	sshll.u32 s6, $0x5  }
0x4: {  	s4 =	simm.s32 $0x1;
	s1 =	rddreg [dreg:$0x3];
	s7 =	sor.u32 s2, s29  }
0x5: {  	s3 =	sadd.s32 $0x400, s3;
	p1 =	seq.s32 s6, $0x1;
	p0 =	seq.s32 s7, $0x0  }
0x6: {  	s9 =	ssub.s32 $0x2, s6;
	s31 =	sshll.u32 s6, $0xE;
	p0 =	por !p0, !p1  }
0x7: {  	s2 =	simm.s32 $0x0;
	s10 =	sshrl.u32 s9, $0x1;
	p0 =	por !p0, !p0  }
0x8: {  	[smem:$0x7FF] =	sst s2;
	s9 =	ssub.s32 s9, s10;
	s4 =	simm.s32 @!p0 $0x0  }
0x9: {  	s7 =	sshll.u32 s7, $0x7;
	s10 =	simm.s32 $0x0;
	s4 =	ssub.s32 s0, s4  }
0xa: {  	_ =	strace $0x80000047;
	s6 =	sadd.s32 s8, s7;
	s4 =	sshll.u32 s4, $0x7  }
0xb: {  	v23 =	vmov s31;
	s7 =	smax.u32 s9, $0x1;
	s8 =	simm.s32 $0x8000;
	s30 =	sand.u32 $0x1FFFFF80, s4  }
0xc: {  	s9 =	simm.s32 $0x8400;
	[tilespmem:$0x1FFF0] =	vst v23;
	s4 =	simm.s32 $0x1;
	s5 =	sadd.s32 s5, s30  }
.LBB2_1:
0xd: {  	[tilespmem:s2], [sflag:$0x1] =	stream.linear.gather [hbm4b:s3+s2], $0x8000, $0x38;
	[tilespmem:$0x10400] =	vst v63  }
0xe: {  	_ =	swait.ge [sflag:s4], $0x8000  }
0xf: {  	[sflag:s4] =	ssyncset.done $0x0  }
0x10: {  	[sflag:s4] =	ssyncadd.s32 $0xFFFF8000  }
0x11: {  	[tilespmem:s8], [sflag:$0x1] =	stream.linear.gather [hbm4b:s5+s2], $0x400, $0x38;
	[tilespmem:$0x10400] =	vst v63  }
0x12: {  	_ =	swait.ge [sflag:s4], $0x400  }
0x13: {  	[sflag:s4] =	ssyncset.done $0x0  }
0x14: {  	s11 =	simm.s32 $0x0;
	[sflag:s4] =	ssyncadd.s32 $0xFFFFFC00  }
0x15: {  	v0 =	vld [tilespmem:s11+$0x8030]  }
0x16: {  	v1 =	vld [tilespmem:s11+$0x8000];
	_ =	sdelay $0x1  }
0x17: {  	v2 =	vld [tilespmem:s11+$0x8010]  }
0x18: {  	v4 =	vld [tilespmem:s11+$0x8020]  }
0x19: {  	v3 =	vadd.s32 v23, v0  }
0x1a: {  	v6 =	vadd.s32 v23, v1;
	_ =	sdelay $0x1  }
0x1b: {  	v7 =	vadd.s32 v23, v2  }
0x1c: {  	v0 =	vand.u32 $0x7, v0;
	v8 =	vadd.s32 v23, v4;
	v5 =	vand.u32 $0xFFFFFFF8, v3  }
0x1d: {  	v5 =	vor.u32 v0, v5;
	v0 =	vand.u32 $0x7, v1;
	v1 =	vand.u32 $0xFFFFFFF8, v6;
	v9 =	vld.idx.msk [tilespmem:v3+s2+$0x0], $0xffff  }
0x1e: {  	v10 =	vadd.s32 $0x200, v5;
	v3 =	vor.u32 v0, v1;
	v0 =	vld.idx.msk [tilespmem:v6+s2+$0x0], $0xffff  }
0x1f: {  	v6 =	vadd.s32 $0x200, v3  }
0x20: {  	v1 =	vand.u32 $0x7, v2;
	v2 =	vand.u32 $0xFFFFFFF8, v7  }
0x21: {  	v4 =	vand.u32 $0x7, v4;
	v7 =	vld.idx.msk [tilespmem:v7+s2+$0x0], $0xffff;
	v2 =	vor.u32 v1, v2;
	v1 =	vand.u32 $0xFFFFFFF8, v8  }
0x22: {  	v8 =	vld.idx.msk [tilespmem:v8+s2+$0x0], $0xffff;
	v4 =	vor.u32 v4, v1;
	v1 =	vadd.s32 $0x200, v2;
	[tilespmem:s11+$0x8430] =	vst v9  }
0x23: {  	v9 =	vadd.s32 $0x200, v4;
	[tilespmem:s11+$0x8400] =	vst v0;
	v10 =	vld.idx.msk [tilespmem:v10+s2+$0x0], $0xffff  }
0x24: {  	v0 =	vadd.s32 $0x400, v5;
	v6 =	vld.idx.msk [tilespmem:v6+s2+$0x0], $0xffff  }
0x25: {  	v11 =	vadd.s32 $0x400, v3  }
0x26: {  	[tilespmem:s11+$0x8410] =	vst v7  }
0x27: {  	[tilespmem:s11+$0x8420] =	vst v8;
	v1 =	vld.idx.msk [tilespmem:v1+s2+$0x0], $0xffff  }
0x28: {  	v7 =	vadd.s32 $0x400, v2;
	v8 =	vld.idx.msk [tilespmem:v9+s2+$0x0], $0xffff;
	[tilespmem:s11+$0x8830] =	vst v10  }
0x29: {  	v9 =	vadd.s32 $0x400, v4;
	[tilespmem:s11+$0x8800] =	vst v6;
	v0 =	vld.idx.msk [tilespmem:v0+s2+$0x0], $0xffff  }
0x2a: {  	v6 =	vadd.s32 $0x600, v5;
	v10 =	vld.idx.msk [tilespmem:v11+s2+$0x0], $0xffff  }
0x2b: {  	v11 =	vadd.s32 $0x600, v3  }
0x2c: {  	[tilespmem:s11+$0x8810] =	vst v1  }
0x2d: {  	v1 =	vld.idx.msk [tilespmem:v7+s2+$0x0], $0xffff;
	[tilespmem:s11+$0x8820] =	vst v8  }
0x2e: {  	v7 =	vadd.s32 $0x600, v2;
	v8 =	vld.idx.msk [tilespmem:v9+s2+$0x0], $0xffff;
	[tilespmem:s11+$0x8C30] =	vst v0  }
0x2f: {  	v0 =	vadd.s32 $0x600, v4;
	[tilespmem:s11+$0x8C00] =	vst v10;
	v6 =	vld.idx.msk [tilespmem:v6+s2+$0x0], $0xffff  }
0x30: {  	v9 =	vadd.s32 $0x800, v5;
	v10 =	vld.idx.msk [tilespmem:v11+s2+$0x0], $0xffff  }
0x31: {  	v11 =	vadd.s32 $0x800, v3  }
0x32: {  	[tilespmem:s11+$0x8C10] =	vst v1  }
0x33: {  	v1 =	vld.idx.msk [tilespmem:v7+s2+$0x0], $0xffff;
	[tilespmem:s11+$0x8C20] =	vst v8  }
0x34: {  	v7 =	vadd.s32 $0x800, v2;
	v0 =	vld.idx.msk [tilespmem:v0+s2+$0x0], $0xffff;
	[tilespmem:s11+$0x9030] =	vst v6  }
0x35: {  	v6 =	vadd.s32 $0x800, v4;
	[tilespmem:s11+$0x9000] =	vst v10;
	v8 =	vld.idx.msk [tilespmem:v9+s2+$0x0], $0xffff  }
0x36: {  	v9 =	vadd.s32 $0xA00, v5;
	v10 =	vld.idx.msk [tilespmem:v11+s2+$0x0], $0xffff  }
0x37: {  	v11 =	vadd.s32 $0xA00, v3  }
0x38: {  	[tilespmem:s11+$0x9010] =	vst v1  }
0x39: {  	v1 =	vld.idx.msk [tilespmem:v7+s2+$0x0], $0xffff;
	[tilespmem:s11+$0x9020] =	vst v0  }
0x3a: {  	v0 =	vadd.s32 $0xA00, v2;
	v6 =	vld.idx.msk [tilespmem:v6+s2+$0x0], $0xffff;
	[tilespmem:s11+$0x9430] =	vst v8  }
0x3b: {  	v7 =	vadd.s32 $0xA00, v4;
	[tilespmem:s11+$0x9400] =	vst v10;
	v8 =	vld.idx.msk [tilespmem:v9+s2+$0x0], $0xffff  }
0x3c: {  	v9 =	vadd.s32 $0xC00, v5;
	v10 =	vld.idx.msk [tilespmem:v11+s2+$0x0], $0xffff  }
0x3d: {  	v11 =	vadd.s32 $0xC00, v3  }
0x3e: {  	[tilespmem:s11+$0x9410] =	vst v1  }
0x3f: {  	v0 =	vld.idx.msk [tilespmem:v0+s2+$0x0], $0xffff;
	[tilespmem:s11+$0x9420] =	vst v6  }
0x40: {  	v1 =	vadd.s32 $0xC00, v2;
	v6 =	vld.idx.msk [tilespmem:v7+s2+$0x0], $0xffff;
	[tilespmem:s11+$0x9830] =	vst v8  }
0x41: {  	v7 =	vadd.s32 $0xC00, v4;
	[tilespmem:s11+$0x9800] =	vst v10;
	v8 =	vld.idx.msk [tilespmem:v9+s2+$0x0], $0xffff  }
0x42: {  	v9 =	vadd.s32 $0xE00, v5;
	v10 =	vld.idx.msk [tilespmem:v11+s2+$0x0], $0xffff  }
0x43: {  	v11 =	vadd.s32 $0xE00, v3  }
0x44: {  	[tilespmem:s11+$0x9810] =	vst v0  }
0x45: {  	v0 =	vld.idx.msk [tilespmem:v1+s2+$0x0], $0xffff;
	[tilespmem:s11+$0x9820] =	vst v6  }
0x46: {  	v1 =	vadd.s32 $0xE00, v2;
	v6 =	vld.idx.msk [tilespmem:v7+s2+$0x0], $0xffff;
	[tilespmem:s11+$0x9C30] =	vst v8  }
0x47: {  	v7 =	vadd.s32 $0xE00, v4;
	[tilespmem:s11+$0x9C00] =	vst v10;
	v8 =	vld.idx.msk [tilespmem:v9+s2+$0x0], $0xffff  }
0x48: {  	v9 =	vadd.s32 $0x1000, v5;
	v10 =	vld.idx.msk [tilespmem:v11+s2+$0x0], $0xffff  }
0x49: {  	v11 =	vadd.s32 $0x1000, v3  }
0x4a: {  	[tilespmem:s11+$0x9C10] =	vst v0  }
0x4b: {  	v0 =	vld.idx.msk [tilespmem:v1+s2+$0x0], $0xffff;
	[tilespmem:s11+$0x9C20] =	vst v6  }
0x4c: {  	v1 =	vadd.s32 $0x1000, v2;
	v6 =	vld.idx.msk [tilespmem:v7+s2+$0x0], $0xffff;
	[tilespmem:s11+$0xA030] =	vst v8  }
0x4d: {  	v7 =	vadd.s32 $0x1000, v4;
	[tilespmem:s11+$0xA000] =	vst v10;
	v8 =	vld.idx.msk [tilespmem:v9+s2+$0x0], $0xffff  }
0x4e: {  	v9 =	vadd.s32 $0x1200, v5;
	v10 =	vld.idx.msk [tilespmem:v11+s2+$0x0], $0xffff  }
0x4f: {  	v11 =	vadd.s32 $0x1200, v3  }
0x50: {  	[tilespmem:s11+$0xA010] =	vst v0  }
0x51: {  	v0 =	vld.idx.msk [tilespmem:v1+s2+$0x0], $0xffff;
	[tilespmem:s11+$0xA020] =	vst v6  }
0x52: {  	v1 =	vadd.s32 $0x1200, v2;
	v6 =	vld.idx.msk [tilespmem:v7+s2+$0x0], $0xffff;
	[tilespmem:s11+$0xA430] =	vst v8  }
0x53: {  	v7 =	vadd.s32 $0x1200, v4;
	[tilespmem:s11+$0xA400] =	vst v10;
	v8 =	vld.idx.msk [tilespmem:v9+s2+$0x0], $0xffff  }
0x54: {  	v9 =	vadd.s32 $0x1400, v5;
	v10 =	vld.idx.msk [tilespmem:v11+s2+$0x0], $0xffff  }
0x55: {  	v11 =	vadd.s32 $0x1400, v3  }
0x56: {  	[tilespmem:s11+$0xA410] =	vst v0  }
0x57: {  	v0 =	vld.idx.msk [tilespmem:v1+s2+$0x0], $0xffff;
	[tilespmem:s11+$0xA420] =	vst v6  }
0x58: {  	v1 =	vadd.s32 $0x1400, v2;
	v6 =	vld.idx.msk [tilespmem:v7+s2+$0x0], $0xffff;
	[tilespmem:s11+$0xA830] =	vst v8  }
0x59: {  	v7 =	vadd.s32 $0x1400, v4;
	[tilespmem:s11+$0xA800] =	vst v10;
	v8 =	vld.idx.msk [tilespmem:v9+s2+$0x0], $0xffff  }
0x5a: {  	v9 =	vadd.s32 $0x1600, v5;
	v10 =	vld.idx.msk [tilespmem:v11+s2+$0x0], $0xffff  }
0x5b: {  	v11 =	vadd.s32 $0x1600, v3  }
0x5c: {  	[tilespmem:s11+$0xA810] =	vst v0  }
0x5d: {  	v0 =	vld.idx.msk [tilespmem:v1+s2+$0x0], $0xffff;
	[tilespmem:s11+$0xA820] =	vst v6  }
0x5e: {  	v1 =	vadd.s32 $0x1600, v2;
	v6 =	vld.idx.msk [tilespmem:v7+s2+$0x0], $0xffff;
	[tilespmem:s11+$0xAC30] =	vst v8  }
0x5f: {  	v7 =	vadd.s32 $0x1600, v4;
	[tilespmem:s11+$0xAC00] =	vst v10;
	v8 =	vld.idx.msk [tilespmem:v9+s2+$0x0], $0xffff  }
0x60: {  	v9 =	vadd.s32 $0x1800, v5;
	v10 =	vld.idx.msk [tilespmem:v11+s2+$0x0], $0xffff  }
0x61: {  	v11 =	vadd.s32 $0x1800, v3  }
0x62: {  	[tilespmem:s11+$0xAC10] =	vst v0  }
0x63: {  	v0 =	vld.idx.msk [tilespmem:v1+s2+$0x0], $0xffff;
	[tilespmem:s11+$0xAC20] =	vst v6  }
0x64: {  	v1 =	vadd.s32 $0x1800, v2;
	v6 =	vld.idx.msk [tilespmem:v7+s2+$0x0], $0xffff;
	[tilespmem:s11+$0xB030] =	vst v8  }
0x65: {  	v7 =	vadd.s32 $0x1800, v4;
	[tilespmem:s11+$0xB000] =	vst v10;
	v8 =	vld.idx.msk [tilespmem:v9+s2+$0x0], $0xffff  }
0x66: {  	v9 =	vadd.s32 $0x1A00, v5;
	v10 =	vld.idx.msk [tilespmem:v11+s2+$0x0], $0xffff  }
0x67: {  	v11 =	vadd.s32 $0x1A00, v3  }
0x68: {  	[tilespmem:s11+$0xB010] =	vst v0  }
0x69: {  	v0 =	vld.idx.msk [tilespmem:v1+s2+$0x0], $0xffff;
	[tilespmem:s11+$0xB020] =	vst v6  }
0x6a: {  	v1 =	vadd.s32 $0x1A00, v2;
	v6 =	vld.idx.msk [tilespmem:v7+s2+$0x0], $0xffff;
	[tilespmem:s11+$0xB430] =	vst v8  }
0x6b: {  	v7 =	vadd.s32 $0x1A00, v4;
	[tilespmem:s11+$0xB400] =	vst v10;
	v8 =	vld.idx.msk [tilespmem:v9+s2+$0x0], $0xffff  }
0x6c: {  	v9 =	vadd.s32 $0x1C00, v5;
	v10 =	vld.idx.msk [tilespmem:v11+s2+$0x0], $0xffff  }
0x6d: {  	v11 =	vadd.s32 $0x1C00, v3  }
0x6e: {  	[tilespmem:s11+$0xB410] =	vst v0  }
0x6f: {  	v0 =	vld.idx.msk [tilespmem:v1+s2+$0x0], $0xffff;
	[tilespmem:s11+$0xB420] =	vst v6  }
0x70: {  	v1 =	vadd.s32 $0x1C00, v2;
	v6 =	vld.idx.msk [tilespmem:v7+s2+$0x0], $0xffff;
	[tilespmem:s11+$0xB830] =	vst v8  }
0x71: {  	v7 =	vadd.s32 $0x1C00, v4;
	[tilespmem:s11+$0xB800] =	vst v10;
	v8 =	vld.idx.msk [tilespmem:v9+s2+$0x0], $0xffff  }
0x72: {  	v9 =	vadd.s32 $0x1E00, v5;
	v10 =	vld.idx.msk [tilespmem:v11+s2+$0x0], $0xffff  }
0x73: {  	v11 =	vadd.s32 $0x1E00, v3  }
0x74: {  	[tilespmem:s11+$0xB810] =	vst v0  }
0x75: {  	v0 =	vld.idx.msk [tilespmem:v1+s2+$0x0], $0xffff;
	[tilespmem:s11+$0xB820] =	vst v6  }
0x76: {  	v1 =	vadd.s32 $0x1E00, v2;
	v6 =	vld.idx.msk [tilespmem:v7+s2+$0x0], $0xffff;
	[tilespmem:s11+$0xBC30] =	vst v8  }
0x77: {  	v7 =	vadd.s32 $0x1E00, v4;
	[tilespmem:s11+$0xBC00] =	vst v10;
	v8 =	vld.idx.msk [tilespmem:v9+s2+$0x0], $0xffff  }
0x78: {  	v9 =	vadd.s32 $0x2000, v5;
	v10 =	vld.idx.msk [tilespmem:v11+s2+$0x0], $0xffff  }
0x79: {  	v11 =	vadd.s32 $0x2000, v3  }
0x7a: {  	[tilespmem:s11+$0xBC10] =	vst v0  }
0x7b: {  	v0 =	vld.idx.msk [tilespmem:v1+s2+$0x0], $0xffff;
	[tilespmem:s11+$0xBC20] =	vst v6  }
0x7c: {  	v1 =	vadd.s32 $0x2000, v2;
	v6 =	vld.idx.msk [tilespmem:v7+s2+$0x0], $0xffff;
	[tilespmem:s11+$0xC030] =	vst v8  }
0x7d: {  	v7 =	vadd.s32 $0x2000, v4;
	[tilespmem:s11+$0xC000] =	vst v10;
	v8 =	vld.idx.msk [tilespmem:v9+s2+$0x0], $0xffff  }
0x7e: {  	v9 =	vadd.s32 $0x2200, v5;
	v10 =	vld.idx.msk [tilespmem:v11+s2+$0x0], $0xffff  }
0x7f: {  	s12 =	simm.s32 $0x40;
	v11 =	vadd.s32 $0x2200, v3  }
0x80: {  	v15 =	vld [tilespmem:s12+$0x8020];
	[tilespmem:s11+$0xC010] =	vst v0  }
0x81: {  	v0 =	vld.idx.msk [tilespmem:v1+s2+$0x0], $0xffff;
	[tilespmem:s11+$0xC020] =	vst v6  }
0x82: {  	v1 =	vld.idx.msk [tilespmem:v7+s2+$0x0], $0xffff;
	[tilespmem:s11+$0xC430] =	vst v8  }
0x83: {  	[tilespmem:s11+$0xC400] =	vst v10;
	v6 =	vld.idx.msk [tilespmem:v9+s2+$0x0], $0xffff  }
0x84: {  	v12 =	vadd.s32 $0x2200, v4;
	v9 =	vld.idx.msk [tilespmem:v11+s2+$0x0], $0xffff  }
0x85: {  	v7 =	vadd.s32 $0x2400, v5;
	v8 =	vld [tilespmem:s12+$0x8030];
	_ =	sdelay $0x1  }
0x86: {  	v13 =	vld [tilespmem:s12+$0x8010];
	v10 =	vadd.s32 $0x2200, v2;
	[tilespmem:s11+$0xC420] =	vst v1  }
0x87: {  	v14 =	vadd.s32 $0x2400, v3;
	v11 =	vld [tilespmem:s12+$0x8000];
	[tilespmem:s11+$0xC830] =	vst v6  }
0x88: {  	v18 =	vadd.s32 v23, v15;
	[tilespmem:s11+$0xC800] =	vst v9;
	v9 =	vld.idx.msk [tilespmem:v12+s2+$0x0], $0xffff  }
0x89: {  	v6 =	vld.idx.msk [tilespmem:v7+s2+$0x0], $0xffff;
	v7 =	vadd.s32 v23, v8  }
0x8a: {  	[tilespmem:s11+$0xC410] =	vst v0  }
0x8b: {  	v0 =	vadd.s32 $0x2600, v5;
	v10 =	vld.idx.msk [tilespmem:v10+s2+$0x0], $0xffff  }
0x8c: {  	v16 =	vadd.s32 v23, v11;
	v14 =	vld.idx.msk [tilespmem:v14+s2+$0x0], $0xffff  }
0x8d: {  	v12 =	vadd.s32 v23, v13;
	[tilespmem:s11+$0xC820] =	vst v9;
	v9 =	vld.idx.msk [tilespmem:v18+s2+$0x0], $0xffff  }
0x8e: {  	v17 =	vadd.s32 $0x2400, v2;
	v1 =	vand.u32 $0xFFFFFFF8, v7;
	v20 =	vld.idx.msk [tilespmem:v7+s2+$0x0], $0xffff;
	v7 =	vand.u32 $0x7, v8  }
0x8f: {  	v19 =	vadd.s32 $0x2400, v4;
	[tilespmem:s11+$0xCC30] =	vst v6;
	v1 =	vor.u32 v7, v1  }
0x90: {  	v6 =	vand.u32 $0x7, v11;
	v8 =	vand.u32 $0xFFFFFFF8, v16;
	v11 =	vld.idx.msk [tilespmem:v0+s2+$0x0], $0xffff;
	v21 =	vadd.s32 $0x200, v1  }
0x91: {  	v15 =	vand.u32 $0x7, v15;
	[tilespmem:s11+$0xC810] =	vst v10;
	v16 =	vld.idx.msk [tilespmem:v16+s2+$0x0], $0xffff;
	v7 =	vor.u32 v6, v8;
	v8 =	vadd.s32 $0x2800, v5  }
0x92: {  	[tilespmem:s11+$0xCC00] =	vst v14;
	v0 =	vand.u32 $0x7, v13;
	v13 =	vand.u32 $0xFFFFFFF8, v12;
	v6 =	vld.idx.msk [tilespmem:v12+s2+$0x0], $0xffff;
	v10 =	vadd.s32 $0x200, v7  }
0x93: {  	v47 =	vor.u32 v0, v13;
	v0 =	vand.u32 $0xFFFFFFF8, v18;
	v13 =	vld.idx.msk [tilespmem:v17+s2+$0x0], $0xffff;
	v17 =	vadd.s32 $0x2600, v3;
	[tilespmem:s12+$0x8420] =	vst v9  }
0x94: {  	v0 =	vor.u32 v15, v0;
	v12 =	vadd.s32 $0x200, v47;
	v15 =	vld.idx.msk [tilespmem:v19+s2+$0x0], $0xffff;
	[tilespmem:s12+$0x8430] =	vst v20  }
0x95: {  	v14 =	vadd.s32 $0x200, v0;
	[tilespmem:s11+$0xD030] =	vst v11;
	v18 =	vld.idx.msk [tilespmem:v21+s2+$0x0], $0xffff  }
0x96: {  	[tilespmem:s12+$0x8400] =	vst v16;
	v11 =	vadd.s32 $0x2600, v2;
	v8 =	vld.idx.msk [tilespmem:v8+s2+$0x0], $0xffff  }
0x97: {  	[tilespmem:s12+$0x8410] =	vst v6;
	v6 =	vadd.s32 $0x400, v1;
	v10 =	vld.idx.msk [tilespmem:v10+s2+$0x0], $0xffff  }
0x98: {  	v9 =	vadd.s32 $0x2A00, v5;
	[tilespmem:s11+$0xCC10] =	vst v13;
	v17 =	vld.idx.msk [tilespmem:v17+s2+$0x0], $0xffff  }
0x99: {  	v16 =	vadd.s32 $0x400, v7;
	v12 =	vld.idx.msk [tilespmem:v12+s2+$0x0], $0xffff;
	[tilespmem:s11+$0xCC20] =	vst v15  }
0x9a: {  	v13 =	vadd.s32 $0x400, v47;
	v14 =	vld.idx.msk [tilespmem:v14+s2+$0x0], $0xffff;
	[tilespmem:s12+$0x8830] =	vst v18  }
0x9b: {  	v15 =	vadd.s32 $0x400, v0;
	v11 =	vld.idx.msk [tilespmem:v11+s2+$0x0], $0xffff;
	[tilespmem:s11+$0xD430] =	vst v8  }
0x9c: {  	v18 =	vadd.s32 $0x2600, v4;
	[tilespmem:s12+$0x8800] =	vst v10;
	v6 =	vld.idx.msk [tilespmem:v6+s2+$0x0], $0xffff  }
0x9d: {  	v8 =	vadd.s32 $0x2800, v3;
	[tilespmem:s11+$0xD000] =	vst v17;
	v9 =	vld.idx.msk [tilespmem:v9+s2+$0x0], $0xffff  }
0x9e: {  	v10 =	vld.idx.msk [tilespmem:v16+s2+$0x0], $0xffff;
	[tilespmem:s12+$0x8810] =	vst v12;
	v12 =	vadd.s32 $0x600, v1  }
0x9f: {  	v13 =	vld.idx.msk [tilespmem:v13+s2+$0x0], $0xffff;
	[tilespmem:s12+$0x8820] =	vst v14;
	v14 =	vadd.s32 $0x2C00, v5  }
0xa0: {  	v16 =	vadd.s32 $0x600, v7;
	v15 =	vld.idx.msk [tilespmem:v15+s2+$0x0], $0xffff;
	[tilespmem:s11+$0xD010] =	vst v11  }
0xa1: {  	v17 =	vadd.s32 $0x600, v47;
	v11 =	vld.idx.msk [tilespmem:v18+s2+$0x0], $0xffff;
	[tilespmem:s12+$0x8C30] =	vst v6  }
0xa2: {  	v18 =	vadd.s32 $0x600, v0;
	v6 =	vld.idx.msk [tilespmem:v8+s2+$0x0], $0xffff;
	[tilespmem:s11+$0xD830] =	vst v9  }
0xa3: {  	v8 =	vadd.s32 $0x2800, v2;
	[tilespmem:s12+$0x8C00] =	vst v10;
	v12 =	vld.idx.msk [tilespmem:v12+s2+$0x0], $0xffff  }
0xa4: {  	v9 =	vadd.s32 $0x2800, v4;
	v10 =	vld.idx.msk [tilespmem:v14+s2+$0x0], $0xffff;
	[tilespmem:s12+$0x8C10] =	vst v13  }
0xa5: {  	v14 =	vld.idx.msk [tilespmem:v16+s2+$0x0], $0xffff;
	v13 =	vadd.s32 $0x800, v1;
	[tilespmem:s12+$0x8C20] =	vst v15  }
0xa6: {  	v16 =	vld.idx.msk [tilespmem:v17+s2+$0x0], $0xffff;
	v15 =	vadd.s32 $0x2E00, v5;
	[tilespmem:s11+$0xD020] =	vst v11  }
0xa7: {  	v17 =	vadd.s32 $0x800, v7;
	v18 =	vld.idx.msk [tilespmem:v18+s2+$0x0], $0xffff;
	[tilespmem:s11+$0xD400] =	vst v6  }
0xa8: {  	v11 =	vadd.s32 $0x800, v47;
	v6 =	vld.idx.msk [tilespmem:v8+s2+$0x0], $0xffff;
	[tilespmem:s12+$0x9030] =	vst v12  }
0xa9: {  	v8 =	vadd.s32 $0x800, v0;
	v9 =	vld.idx.msk [tilespmem:v9+s2+$0x0], $0xffff;
	[tilespmem:s11+$0xDC30] =	vst v10  }
0xaa: {  	v12 =	vadd.s32 $0x2A00, v3;
	[tilespmem:s12+$0x9000] =	vst v14;
	v13 =	vld.idx.msk [tilespmem:v13+s2+$0x0], $0xffff  }
0xab: {  	v10 =	vadd.s32 $0x2A00, v2;
	v14 =	vld.idx.msk [tilespmem:v15+s2+$0x0], $0xffff;
	[tilespmem:s12+$0x9010] =	vst v16  }
0xac: {  	v15 =	vld.idx.msk [tilespmem:v17+s2+$0x0], $0xffff;
	v16 =	vadd.s32 $0xA00, v1;
	[tilespmem:s12+$0x9020] =	vst v18  }
0xad: {  	v17 =	vadd.s32 $0x3000, v5;
	v11 =	vld.idx.msk [tilespmem:v11+s2+$0x0], $0xffff;
	[tilespmem:s11+$0xD410] =	vst v6  }
0xae: {  	v18 =	vadd.s32 $0xA00, v7;
	v8 =	vld.idx.msk [tilespmem:v8+s2+$0x0], $0xffff;
	[tilespmem:s11+$0xD420] =	vst v9  }
0xaf: {  	v6 =	vadd.s32 $0xA00, v47;
	v12 =	vld.idx.msk [tilespmem:v12+s2+$0x0], $0xffff;
	[tilespmem:s12+$0x9430] =	vst v13  }
0xb0: {  	v9 =	vadd.s32 $0xA00, v0;
	v10 =	vld.idx.msk [tilespmem:v10+s2+$0x0], $0xffff;
	[tilespmem:s11+$0xE030] =	vst v14  }
0xb1: {  	v13 =	vadd.s32 $0x2A00, v4;
	[tilespmem:s12+$0x9400] =	vst v15;
	v16 =	vld.idx.msk [tilespmem:v16+s2+$0x0], $0xffff  }
0xb2: {  	v14 =	vadd.s32 $0x2C00, v3;
	v15 =	vld.idx.msk [tilespmem:v17+s2+$0x0], $0xffff;
	[tilespmem:s12+$0x9410] =	vst v11  }
0xb3: {  	v17 =	vld.idx.msk [tilespmem:v18+s2+$0x0], $0xffff;
	v11 =	vadd.s32 $0xC00, v1;
	[tilespmem:s12+$0x9420] =	vst v8  }
0xb4: {  	v6 =	vld.idx.msk [tilespmem:v6+s2+$0x0], $0xffff;
	v8 =	vadd.s32 $0x3200, v5;
	[tilespmem:s11+$0xD800] =	vst v12  }
0xb5: {  	v18 =	vadd.s32 $0xC00, v7;
	v9 =	vld.idx.msk [tilespmem:v9+s2+$0x0], $0xffff;
	[tilespmem:s11+$0xD810] =	vst v10  }
0xb6: {  	v12 =	vadd.s32 $0xC00, v47;
	v10 =	vld.idx.msk [tilespmem:v13+s2+$0x0], $0xffff;
	[tilespmem:s12+$0x9830] =	vst v16  }
0xb7: {  	v13 =	vadd.s32 $0xC00, v0;
	v14 =	vld.idx.msk [tilespmem:v14+s2+$0x0], $0xffff;
	[tilespmem:s11+$0xE430] =	vst v15  }
0xb8: {  	v16 =	vadd.s32 $0x2C00, v2;
	v11 =	vld.idx.msk [tilespmem:v11+s2+$0x0], $0xffff;
	[tilespmem:s12+$0x9800] =	vst v17  }
0xb9: {  	v15 =	vadd.s32 $0x2C00, v4;
	v8 =	vld.idx.msk [tilespmem:v8+s2+$0x0], $0xffff;
	[tilespmem:s12+$0x9810] =	vst v6  }
0xba: {  	v17 =	vld.idx.msk [tilespmem:v18+s2+$0x0], $0xffff;
	v6 =	vadd.s32 $0xE00, v1;
	[tilespmem:s12+$0x9820] =	vst v9  }
0xbb: {  	v12 =	vld.idx.msk [tilespmem:v12+s2+$0x0], $0xffff;
	v9 =	vadd.s32 $0x3400, v5;
	[tilespmem:s11+$0xD820] =	vst v10  }
0xbc: {  	v18 =	vadd.s32 $0xE00, v7;
	v13 =	vld.idx.msk [tilespmem:v13+s2+$0x0], $0xffff;
	[tilespmem:s11+$0xDC00] =	vst v14  }
0xbd: {  	v10 =	vadd.s32 $0xE00, v47;
	v14 =	vld.idx.msk [tilespmem:v16+s2+$0x0], $0xffff;
	[tilespmem:s12+$0x9C30] =	vst v11  }
0xbe: {  	v16 =	vadd.s32 $0xE00, v0;
	v11 =	vld.idx.msk [tilespmem:v15+s2+$0x0], $0xffff;
	[tilespmem:s11+$0xE830] =	vst v8  }
0xbf: {  	v15 =	vadd.s32 $0x2E00, v3;
	v6 =	vld.idx.msk [tilespmem:v6+s2+$0x0], $0xffff;
	[tilespmem:s12+$0x9C00] =	vst v17  }
0xc0: {  	v8 =	vadd.s32 $0x2E00, v2;
	v9 =	vld.idx.msk [tilespmem:v9+s2+$0x0], $0xffff;
	[tilespmem:s12+$0x9C10] =	vst v12  }
0xc1: {  	v17 =	vld.idx.msk [tilespmem:v18+s2+$0x0], $0xffff;
	v12 =	vadd.s32 $0x1000, v1;
	[tilespmem:s12+$0x9C20] =	vst v13  }
0xc2: {  	v10 =	vld.idx.msk [tilespmem:v10+s2+$0x0], $0xffff;
	v13 =	vadd.s32 $0x3600, v5;
	[tilespmem:s11+$0xDC10] =	vst v14  }
0xc3: {  	v18 =	vadd.s32 $0x1000, v7;
	v16 =	vld.idx.msk [tilespmem:v16+s2+$0x0], $0xffff;
	[tilespmem:s11+$0xDC20] =	vst v11  }
0xc4: {  	v14 =	vadd.s32 $0x1000, v47;
	v15 =	vld.idx.msk [tilespmem:v15+s2+$0x0], $0xffff;
	[tilespmem:s12+$0xA030] =	vst v6  }
0xc5: {  	v11 =	vadd.s32 $0x1000, v0;
	v6 =	vld.idx.msk [tilespmem:v8+s2+$0x0], $0xffff;
	[tilespmem:s11+$0xEC30] =	vst v9  }
0xc6: {  	v8 =	vadd.s32 $0x2E00, v4;
	v12 =	vld.idx.msk [tilespmem:v12+s2+$0x0], $0xffff;
	[tilespmem:s12+$0xA000] =	vst v17  }
0xc7: {  	v9 =	vadd.s32 $0x3000, v3;
	v13 =	vld.idx.msk [tilespmem:v13+s2+$0x0], $0xffff;
	[tilespmem:s12+$0xA010] =	vst v10  }
0xc8: {  	v17 =	vld.idx.msk [tilespmem:v18+s2+$0x0], $0xffff;
	v10 =	vadd.s32 $0x1200, v1;
	[tilespmem:s12+$0xA020] =	vst v16  }
0xc9: {  	v14 =	vld.idx.msk [tilespmem:v14+s2+$0x0], $0xffff;
	v16 =	vadd.s32 $0x3800, v5;
	[tilespmem:s11+$0xE000] =	vst v15  }
0xca: {  	v18 =	vadd.s32 $0x1200, v7;
	v11 =	vld.idx.msk [tilespmem:v11+s2+$0x0], $0xffff;
	[tilespmem:s11+$0xE010] =	vst v6  }
0xcb: {  	v15 =	vadd.s32 $0x1200, v47;
	v6 =	vld.idx.msk [tilespmem:v8+s2+$0x0], $0xffff;
	[tilespmem:s12+$0xA430] =	vst v12  }
0xcc: {  	v8 =	vadd.s32 $0x1200, v0;
	v9 =	vld.idx.msk [tilespmem:v9+s2+$0x0], $0xffff;
	[tilespmem:s11+$0xF030] =	vst v13  }
0xcd: {  	v12 =	vadd.s32 $0x3000, v2;
	v10 =	vld.idx.msk [tilespmem:v10+s2+$0x0], $0xffff;
	[tilespmem:s12+$0xA400] =	vst v17  }
0xce: {  	v13 =	vadd.s32 $0x3000, v4;
	v16 =	vld.idx.msk [tilespmem:v16+s2+$0x0], $0xffff;
	[tilespmem:s12+$0xA410] =	vst v14  }
0xcf: {  	v17 =	vld.idx.msk [tilespmem:v18+s2+$0x0], $0xffff;
	v14 =	vadd.s32 $0x1400, v1;
	[tilespmem:s12+$0xA420] =	vst v11  }
0xd0: {  	v15 =	vld.idx.msk [tilespmem:v15+s2+$0x0], $0xffff;
	v11 =	vadd.s32 $0x3A00, v5;
	[tilespmem:s11+$0xE020] =	vst v6  }
0xd1: {  	v18 =	vadd.s32 $0x1400, v7;
	v8 =	vld.idx.msk [tilespmem:v8+s2+$0x0], $0xffff;
	[tilespmem:s11+$0xE400] =	vst v9  }
0xd2: {  	v6 =	vadd.s32 $0x1400, v47;
	v9 =	vld.idx.msk [tilespmem:v12+s2+$0x0], $0xffff;
	[tilespmem:s12+$0xA830] =	vst v10  }
0xd3: {  	v12 =	vadd.s32 $0x1400, v0;
	v10 =	vld.idx.msk [tilespmem:v13+s2+$0x0], $0xffff;
	[tilespmem:s11+$0xF430] =	vst v16  }
0xd4: {  	v13 =	vadd.s32 $0x3200, v3;
	v14 =	vld.idx.msk [tilespmem:v14+s2+$0x0], $0xffff;
	[tilespmem:s12+$0xA800] =	vst v17  }
0xd5: {  	v16 =	vadd.s32 $0x3200, v2;
	v11 =	vld.idx.msk [tilespmem:v11+s2+$0x0], $0xffff;
	[tilespmem:s12+$0xA810] =	vst v15  }
0xd6: {  	v17 =	vld.idx.msk [tilespmem:v18+s2+$0x0], $0xffff;
	v15 =	vadd.s32 $0x1600, v1;
	[tilespmem:s12+$0xA820] =	vst v8  }
0xd7: {  	v6 =	vld.idx.msk [tilespmem:v6+s2+$0x0], $0xffff;
	v8 =	vadd.s32 $0x3C00, v5;
	[tilespmem:s11+$0xE410] =	vst v9  }
0xd8: {  	v18 =	vadd.s32 $0x1600, v7;
	v12 =	vld.idx.msk [tilespmem:v12+s2+$0x0], $0xffff;
	[tilespmem:s11+$0xE420] =	vst v10  }
0xd9: {  	v9 =	vadd.s32 $0x1600, v47;
	v13 =	vld.idx.msk [tilespmem:v13+s2+$0x0], $0xffff;
	[tilespmem:s12+$0xAC30] =	vst v14  }
0xda: {  	v10 =	vadd.s32 $0x1600, v0;
	v14 =	vld.idx.msk [tilespmem:v16+s2+$0x0], $0xffff;
	[tilespmem:s11+$0xF830] =	vst v11  }
0xdb: {  	v16 =	vadd.s32 $0x3200, v4;
	v15 =	vld.idx.msk [tilespmem:v15+s2+$0x0], $0xffff;
	[tilespmem:s12+$0xAC00] =	vst v17  }
0xdc: {  	v11 =	vadd.s32 $0x3400, v3;
	v8 =	vld.idx.msk [tilespmem:v8+s2+$0x0], $0xffff;
	[tilespmem:s12+$0xAC10] =	vst v6  }
0xdd: {  	v17 =	vld.idx.msk [tilespmem:v18+s2+$0x0], $0xffff;
	v6 =	vadd.s32 $0x1800, v1;
	[tilespmem:s12+$0xAC20] =	vst v12  }
0xde: {  	v5 =	vadd.s32 $0x3E00, v5;
	v9 =	vld.idx.msk [tilespmem:v9+s2+$0x0], $0xffff;
	[tilespmem:s11+$0xE800] =	vst v13  }
0xdf: {  	v12 =	vadd.s32 $0x1800, v7;
	v10 =	vld.idx.msk [tilespmem:v10+s2+$0x0], $0xffff;
	[tilespmem:s11+$0xE810] =	vst v14  }
0xe0: {  	v13 =	vadd.s32 $0x1800, v47;
	v14 =	vld.idx.msk [tilespmem:v16+s2+$0x0], $0xffff;
	[tilespmem:s12+$0xB030] =	vst v15  }
0xe1: {  	v16 =	vadd.s32 $0x1800, v0;
	v11 =	vld.idx.msk [tilespmem:v11+s2+$0x0], $0xffff;
	[tilespmem:s11+$0xFC30] =	vst v8  }
0xe2: {  	v15 =	vadd.s32 $0x3400, v2;
	v6 =	vld.idx.msk [tilespmem:v6+s2+$0x0], $0xffff;
	[tilespmem:s12+$0xB000] =	vst v17  }
0xe3: {  	v8 =	vadd.s32 $0x3400, v4;
	v5 =	vld.idx.msk [tilespmem:v5+s2+$0x0], $0xffff;
	[tilespmem:s12+$0xB010] =	vst v9  }
0xe4: {  	v12 =	vld.idx.msk [tilespmem:v12+s2+$0x0], $0xffff;
	v9 =	vadd.s32 $0x1A00, v1;
	[tilespmem:s12+$0xB020] =	vst v10  }
0xe5: {  	v17 =	vadd.s32 $0x3600, v3;
	v13 =	vld.idx.msk [tilespmem:v13+s2+$0x0], $0xffff;
	[tilespmem:s11+$0xE820] =	vst v14  }
0xe6: {  	v10 =	vadd.s32 $0x1A00, v7;
	v16 =	vld.idx.msk [tilespmem:v16+s2+$0x0], $0xffff;
	[tilespmem:s11+$0xEC00] =	vst v11  }
0xe7: {  	v14 =	vadd.s32 $0x1A00, v47;
	v11 =	vld.idx.msk [tilespmem:v15+s2+$0x0], $0xffff;
	[tilespmem:s12+$0xB430] =	vst v6  }
0xe8: {  	v15 =	vadd.s32 $0x1A00, v0;
	v6 =	vld.idx.msk [tilespmem:v8+s2+$0x0], $0xffff;
	[tilespmem:s11+$0x10030] =	vst v5  }
0xe9: {  	v8 =	vadd.s32 $0x3600, v2;
	v9 =	vld.idx.msk [tilespmem:v9+s2+$0x0], $0xffff;
	[tilespmem:s12+$0xB400] =	vst v12  }
0xea: {  	v5 =	vadd.s32 $0x3600, v4;
	v12 =	vld.idx.msk [tilespmem:v17+s2+$0x0], $0xffff;
	[tilespmem:s12+$0xB410] =	vst v13  }
0xeb: {  	v10 =	vld.idx.msk [tilespmem:v10+s2+$0x0], $0xffff;
	v13 =	vadd.s32 $0x1C00, v1;
	[tilespmem:s12+$0xB420] =	vst v16  }
0xec: {  	v17 =	vadd.s32 $0x3800, v3;
	v14 =	vld.idx.msk [tilespmem:v14+s2+$0x0], $0xffff;
	[tilespmem:s11+$0xEC10] =	vst v11  }
0xed: {  	v16 =	vadd.s32 $0x1C00, v7;
	v15 =	vld.idx.msk [tilespmem:v15+s2+$0x0], $0xffff;
	[tilespmem:s11+$0xEC20] =	vst v6  }
0xee: {  	v11 =	vadd.s32 $0x1C00, v47;
	v8 =	vld.idx.msk [tilespmem:v8+s2+$0x0], $0xffff;
	[tilespmem:s12+$0xB830] =	vst v9  }
0xef: {  	v6 =	vadd.s32 $0x1C00, v0;
	v5 =	vld.idx.msk [tilespmem:v5+s2+$0x0], $0xffff;
	[tilespmem:s11+$0xF000] =	vst v12  }
0xf0: {  	v9 =	vadd.s32 $0x3800, v2;
	v13 =	vld.idx.msk [tilespmem:v13+s2+$0x0], $0xffff;
	[tilespmem:s12+$0xB800] =	vst v10  }
0xf1: {  	v12 =	vadd.s32 $0x3800, v4;
	v10 =	vld.idx.msk [tilespmem:v17+s2+$0x0], $0xffff;
	[tilespmem:s12+$0xB810] =	vst v14  }
0xf2: {  	v24 =	vadd.s32 $0x3E00, v2;
	v25 =	vadd.s32 $0x3E00, v4;
	v16 =	vld.idx.msk [tilespmem:v16+s2+$0x0], $0xffff;
	v14 =	vadd.s32 $0x1E00, v1;
	[tilespmem:s12+$0xB820] =	vst v15  }
0xf3: {  	v21 =	vadd.s32 $0x3E00, v3;
	v18 =	vadd.s32 $0x3C00, v3;
	v17 =	vadd.s32 $0x3A00, v3;
	v3 =	vld.idx.msk [tilespmem:v11+s2+$0x0], $0xffff;
	[tilespmem:s11+$0xF010] =	vst v8  }
0xf4: {  	v22 =	vadd.s32 $0x1E00, v7;
	v19 =	vadd.s32 $0x3A00, v2;
	v20 =	vadd.s32 $0x3A00, v4;
	v6 =	vld.idx.msk [tilespmem:v6+s2+$0x0], $0xffff;
	[tilespmem:s11+$0xF020] =	vst v5  }
0xf5: {  	v11 =	vadd.s32 $0x3C00, v2;
	v15 =	vadd.s32 $0x3C00, v4;
	v2 =	vadd.s32 $0x1E00, v47;
	v4 =	vld.idx.msk [tilespmem:v9+s2+$0x0], $0xffff;
	[tilespmem:s12+$0xBC30] =	vst v13  }
0xf6: {  	v58 =	vadd.s32 $0x2200, v7;
	v53 =	vadd.s32 $0x2400, v7;
	v9 =	vadd.s32 $0x1E00, v0;
	v12 =	vld.idx.msk [tilespmem:v12+s2+$0x0], $0xffff;
	[tilespmem:s11+$0xF400] =	vst v10  }
0xf7: {  	v49 =	vadd.s32 $0x2600, v7;
	v38 =	vadd.s32 $0x2800, v7;
	v57 =	vadd.s32 $0x2A00, v7;
	v14 =	vld.idx.msk [tilespmem:v14+s2+$0x0], $0xffff;
	[tilespmem:s12+$0xBC00] =	vst v16  }
0xf8: {  	v52 =	vadd.s32 $0x2C00, v7;
	v37 =	vadd.s32 $0x2E00, v7;
	v34 =	vadd.s32 $0x3000, v7;
	v10 =	vld.idx.msk [tilespmem:v17+s2+$0x0], $0xffff;
	[tilespmem:s12+$0xBC10] =	vst v3  }
0xf9: {  	v31 =	vadd.s32 $0x3200, v7;
	v30 =	vadd.s32 $0x3400, v7;
	v16 =	vld.idx.msk [tilespmem:v22+s2+$0x0], $0xffff;
	v3 =	vadd.s32 $0x2000, v1;
	[tilespmem:s12+$0xBC20] =	vst v6  }
0xfa: {  	v55 =	vadd.s32 $0x2200, v47;
	v50 =	vadd.s32 $0x2400, v47;
	v2 =	vld.idx.msk [tilespmem:v2+s2+$0x0], $0xffff;
	[tilespmem:s11+$0xF410] =	vst v4;
	v4 =	vadd.s32 $0x2A00, v47  }
0xfb: {  	v46 =	vadd.s32 $0x2600, v47;
	v39 =	vadd.s32 $0x2800, v47;
	v5 =	vadd.s32 $0x2000, v7;
	v9 =	vld.idx.msk [tilespmem:v9+s2+$0x0], $0xffff;
	[tilespmem:$0x1FFE0] =	vst v4  }
0xfc: {  	v42 =	vadd.s32 $0x2C00, v47;
	v40 =	vadd.s32 $0x2E00, v47;
	v8 =	vadd.s32 $0x2000, v47;
	v4 =	vld.idx.msk [tilespmem:v19+s2+$0x0], $0xffff;
	[tilespmem:s11+$0xF420] =	vst v12  }
0xfd: {  	v35 =	vadd.s32 $0x3000, v47;
	v32 =	vadd.s32 $0x3200, v47;
	v13 =	vadd.s32 $0x2000, v0;
	[tilespmem:s12+$0xC030] =	vst v14;
	v12 =	vld.idx.msk [tilespmem:v20+s2+$0x0], $0xffff  }
0xfe: {  	v28 =	vadd.s32 $0x3400, v47;
	v26 =	vadd.s32 $0x3600, v47;
	v48 =	vadd.s32 $0x3E00, v47;
	[tilespmem:s11+$0xF800] =	vst v10;
	v3 =	vld.idx.msk [tilespmem:v3+s2+$0x0], $0xffff  }
0xff: {  	v56 =	vadd.s32 $0x2200, v0;
	v51 =	vadd.s32 $0x2400, v0;
	v61 =	vadd.s32 $0x2600, v0;
	[tilespmem:s12+$0xC000] =	vst v16;
	v10 =	vld.idx.msk [tilespmem:v18+s2+$0x0], $0xffff  }
0x100: {  	v44 =	vadd.s32 $0x2800, v0;
	v54 =	vadd.s32 $0x2A00, v0;
	v14 =	vld.idx.msk [tilespmem:v5+s2+$0x0], $0xffff;
	[tilespmem:s12+$0xC010] =	vst v2;
	v2 =	vadd.s32 $0x2200, v1  }
0x101: {  	v45 =	vadd.s32 $0x2C00, v0;
	v41 =	vadd.s32 $0x2E00, v0;
	v36 =	vadd.s32 $0x3000, v0;
	v6 =	vld.idx.msk [tilespmem:v8+s2+$0x0], $0xffff;
	[tilespmem:s12+$0xC020] =	vst v9  }
0x102: {  	v33 =	vadd.s32 $0x3200, v0;
	v29 =	vadd.s32 $0x3400, v0;
	v27 =	vadd.s32 $0x3600, v0;
	v8 =	vld.idx.msk [tilespmem:v13+s2+$0x0], $0xffff;
	[tilespmem:s11+$0xF810] =	vst v4  }
0x103: {  	v17 =	vadd.s32 $0x3A00, v47;
	v22 =	vadd.s32 $0x3600, v7;
	v19 =	vadd.s32 $0x3800, v47;
	v5 =	vld.idx.msk [tilespmem:v11+s2+$0x0], $0xffff;
	[tilespmem:s11+$0xF820] =	vst v12  }
0x104: {  	v16 =	vadd.s32 $0x3800, v7;
	v20 =	vadd.s32 $0x3800, v0;
	v18 =	vadd.s32 $0x3A00, v0;
	[tilespmem:s12+$0xC430] =	vst v3;
	v4 =	vld.idx.msk [tilespmem:v15+s2+$0x0], $0xffff  }
0x105: {  	v9 =	vadd.s32 $0x3E00, v7;
	v13 =	vadd.s32 $0x3A00, v7;
	v12 =	vadd.s32 $0x3C00, v7;
	[tilespmem:s11+$0xFC00] =	vst v10;
	v3 =	vld.idx.msk [tilespmem:v2+s2+$0x0], $0xffff  }
0x106: {  	s13 =	simm.s32 $0x4;
	s14 =	simm.s32 $0x200;
	v15 =	vadd.s32 $0x3C00, v47;
	[tilespmem:s12+$0xC400] =	vst v14;
	v14 =	vadd.s32 $0x3C00, v0;
	v47 =	vadd.s32 $0x3E00, v0;
	v0 =	vld.idx.msk [tilespmem:v21+s2+$0x0], $0xffff  }
.LBB2_2:
0x107: {  	[tilespmem:$0x1FC40] =	vst v34  }
0x108: {  	[tilespmem:$0x1FD20] =	vst v33  }
0x109: {  	[tilespmem:$0x1FCB0] =	vst v31  }
0x10a: {  	[tilespmem:$0x1FD30] =	vst v30  }
0x10b: {  	[tilespmem:$0x1FD70] =	vst v28  }
0x10c: {  	[tilespmem:$0x1FD80] =	vst v29  }
0x10d: {  	[tilespmem:$0x1FDD0] =	vst v26  }
0x10e: {  	[tilespmem:$0x1FE50] =	vst v19  }
0x10f: {  	[tilespmem:$0x1FDF0] =	vst v27  }
0x110: {  	[tilespmem:$0x1FEF0] =	vst v17  }
0x111: {  	[tilespmem:$0x1FF10] =	vst v18  }
0x112: {  	[tilespmem:$0x1FE80] =	vst v20  }
0x113: {  	[tilespmem:$0x1FE00] =	vst v16  }
0x114: {  	[tilespmem:$0x1FEA0] =	vst v13  }
0x115: {  	[tilespmem:$0x1FF30] =	vst v12  }
0x116: {  	s15 =	sshra.s32 s14, $0x2;
	v2 =	vld.idx.msk [tilespmem:v58+s2+$0x0], $0xffff;
	[tilespmem:s12+$0xC410] =	vst v6;
	v6 =	vadd.s32 $0x2400, v1  }
0x117: {  	[tilespmem:s12+$0xC420] =	vst v8;
	v7 =	vld [tilespmem:s15+$0x8030]  }
0x118: {  	v8 =	vld [tilespmem:s15+$0x8000];
	[tilespmem:s11+$0xFC10] =	vst v5  }
0x119: {  	[tilespmem:s11+$0xFC20] =	vst v4;
	v5 =	vld [tilespmem:s15+$0x8010]  }
0x11a: {  	v4 =	vld [tilespmem:s15+$0x8020];
	[tilespmem:s12+$0xC830] =	vst v3  }
0x11b: {  	[tilespmem:$0x1FF80] =	vst v15;
	v3 =	vld.idx.msk [tilespmem:v6+s2+$0x0], $0xffff  }
0x11c: {  	[tilespmem:$0x1FFA0] =	vst v14;
	v6 =	vld.idx.msk [tilespmem:v55+s2+$0x0], $0xffff  }
0x11d: {  	[tilespmem:$0x1FFC0] =	vst v9  }
0x11e: {  	[tilespmem:s11+$0x10000] =	vst v0;
	v0 =	vadd.s32 v23, v7;
	v9 =	vadd.s32 v23, v8  }
0x11f: {  	v14 =	vmov v47;
	[tilespmem:s12+$0xC800] =	vst v2;
	v2 =	vand.u32 $0x7, v8;
	v8 =	vld.idx.msk [tilespmem:v56+s2+$0x0], $0xffff;
	v11 =	vand.u32 $0xFFFFFFF8, v9  }
0x120: {  	[tilespmem:$0x1FCD0] =	vst v14;
	v13 =	vld.idx.msk [tilespmem:v53+s2+$0x0], $0xffff;
	v12 =	vadd.s32 v23, v5;
	v5 =	vand.u32 $0x7, v5;
	v2 =	vor.u32 v2, v11  }
0x121: {  	v16 =	vld.idx.msk [tilespmem:v24+s2+$0x0], $0xffff;
	v15 =	vadd.s32 v23, v4;
	v18 =	vand.u32 $0xFFFFFFF8, v12;
	v60 =	vadd.s32 $0x3800, v2;
	[tilespmem:s12+$0xC810] =	vst v6  }
0x122: {  	v17 =	vmovc v48;
	v4 =	vand.u32 $0x7, v4;
	v48 =	vor.u32 v5, v18;
	v5 =	vand.u32 $0xFFFFFFF8, v15;
	[tilespmem:$0x1FE10] =	vst v60  }
0x123: {  	v47 =	vor.u32 v4, v5;
	v4 =	vld.idx.msk [tilespmem:v0+s2+$0x0], $0xffff;
	[tilespmem:s12+$0xCC30] =	vst v3  }
0x124: {  	v11 =	vld.idx.msk [tilespmem:v25+s2+$0x0], $0xffff;
	[tilespmem:s12+$0xC820] =	vst v8  }
0x125: {  	v60 =	vadd.s32 $0x3A00, v2;
	v9 =	vld.idx.msk [tilespmem:v9+s2+$0x0], $0xffff;
	[tilespmem:s12+$0xCC00] =	vst v13  }
0x126: {  	[tilespmem:$0x1FEB0] =	vst v60  }
0x127: {  	v10 =	vadd.s32 $0x2600, v1;
	v60 =	vadd.s32 $0x3800, v48;
	v8 =	vld.idx.msk [tilespmem:v12+s2+$0x0], $0xffff;
	[tilespmem:s11+$0x10010] =	vst v16  }
0x128: {  	[tilespmem:$0x1FE60] =	vst v60  }
0x129: {  	v15 =	vld.idx.msk [tilespmem:v15+s2+$0x0], $0xffff;
	v60 =	vadd.s32 $0x3800, v47;
	[tilespmem:s11+$0x10020] =	vst v11  }
0x12a: {  	v5 =	vand.u32 $0x7, v7;
	v0 =	vand.u32 $0xFFFFFFF8, v0;
	[tilespmem:$0x1FE90] =	vst v60;
	v60 =	vadd.s32 $0x3C00, v2  }
0x12b: {  	v53 =	vor.u32 v5, v0;
	[tilespmem:$0x1FF40] =	vst v60;
	v60 =	vadd.s32 $0x3A00, v47  }
0x12c: {  	v0 =	vld.idx.msk [tilespmem:v10+s2+$0x0], $0xffff;
	v10 =	vadd.s32 $0x200, v53;
	s11 =	smov.u32 s12;
	s12 =	smov.u32 s15;
	[tilespmem:$0x1FF20] =	vst v60  }
0x12d: {  	v14 =	vadd.s32 $0x200, v48;
	v16 =	vld.idx.msk [tilespmem:v50+s2+$0x0], $0xffff;
	[tilespmem:s12+$0x8430] =	vst v4  }
0x12e: {  	v7 =	vadd.s32 $0x200, v2;
	[tilespmem:s12+$0x8400] =	vst v9  }
0x12f: {  	[tilespmem:s12+$0x8410] =	vst v8  }
0x130: {  	v4 =	vld.idx.msk [tilespmem:v51+s2+$0x0], $0xffff;
	[tilespmem:s12+$0x8420] =	vst v15  }
0x131: {  	v21 =	vadd.s32 $0x200, v47;
	v11 =	vld.idx.msk [tilespmem:v10+s2+$0x0], $0xffff;
	[tilespmem:s11+$0xD030] =	vst v0  }
0x132: {  	v0 =	vadd.s32 $0x1200, v2;
	v58 =	vld.idx.msk [tilespmem:v14+s2+$0x0], $0xffff;
	[tilespmem:s11+$0xCC10] =	vst v16  }
0x133: {  	v7 =	vld.idx.msk [tilespmem:v7+s2+$0x0], $0xffff;
	[tilespmem:$0x1FC50] =	vst v0;
	v0 =	vadd.s32 $0x1400, v2  }
0x134: {  	v13 =	vadd.s32 $0x2800, v1;
	[tilespmem:$0x1FC80] =	vst v0;
	v0 =	vadd.s32 $0x1200, v48  }
0x135: {  	[tilespmem:$0x1FC60] =	vst v0  }
0x136: {  	v21 =	vld.idx.msk [tilespmem:v21+s2+$0x0], $0xffff;
	v0 =	vadd.s32 $0x1200, v47;
	[tilespmem:s11+$0xCC20] =	vst v4  }
0x137: {  	[tilespmem:$0x1FC70] =	vst v0  }
0x138: {  	v16 =	vld.idx.msk [tilespmem:v49+s2+$0x0], $0xffff;
	v0 =	vadd.s32 $0x1600, v2;
	[tilespmem:s12+$0x8800] =	vst v7  }
0x139: {  	v55 =	vadd.s32 $0x400, v53;
	v51 =	vld.idx.msk [tilespmem:v13+s2+$0x0], $0xffff;
	[tilespmem:$0x1FCE0] =	vst v0  }
0x13a: {  	v15 =	vadd.s32 $0x2A00, v1;
	[tilespmem:s12+$0x8830] =	vst v11  }
0x13b: {  	v20 =	vadd.s32 $0x400, v2;
	v11 =	vld.idx.msk [tilespmem:v46+s2+$0x0], $0xffff;
	[tilespmem:s12+$0x8810] =	vst v58  }
0x13c: {  	v0 =	vadd.s32 $0x1400, v48;
	[tilespmem:s12+$0x8820] =	vst v21  }
0x13d: {  	v12 =	vadd.s32 $0x400, v48;
	[tilespmem:$0x1FC90] =	vst v0  }
0x13e: {  	v25 =	vadd.s32 $0x400, v47;
	v0 =	vadd.s32 $0x1400, v47;
	v33 =	vld.idx.msk [tilespmem:v55+s2+$0x0], $0xffff;
	[tilespmem:s11+$0xD430] =	vst v51  }
0x13f: {  	[tilespmem:$0x1FCA0] =	vst v0;
	v7 =	vld.idx.msk [tilespmem:v15+s2+$0x0], $0xffff  }
0x140: {  	v0 =	vadd.s32 $0x1800, v2;
	v15 =	vld.idx.msk [tilespmem:v20+s2+$0x0], $0xffff;
	[tilespmem:s11+$0xD000] =	vst v16  }
0x141: {  	[tilespmem:$0x1FD40] =	vst v0;
	v0 =	vadd.s32 $0x1600, v48  }
0x142: {  	v12 =	vld.idx.msk [tilespmem:v12+s2+$0x0], $0xffff;
	[tilespmem:$0x1FCF0] =	vst v0;
	v0 =	vadd.s32 $0x1600, v47  }
0x143: {  	v25 =	vld.idx.msk [tilespmem:v25+s2+$0x0], $0xffff;
	[tilespmem:$0x1FD10] =	vst v0  }
0x144: {  	v0 =	vadd.s32 $0x1A00, v2;
	[tilespmem:s11+$0xD010] =	vst v11  }
0x145: {  	v20 =	vadd.s32 $0x600, v53;
	[tilespmem:$0x1FDA0] =	vst v0  }
0x146: {  	[tilespmem:s12+$0x8C30] =	vst v33  }
0x147: {  	v21 =	vadd.s32 $0x2C00, v1;
	v16 =	vld.idx.msk [tilespmem:v38+s2+$0x0], $0xffff;
	[tilespmem:s12+$0x8C10] =	vst v12  }
0x148: {  	v27 =	vadd.s32 $0x600, v2;
	v11 =	vld.idx.msk [tilespmem:v61+s2+$0x0], $0xffff;
	v0 =	vadd.s32 $0x1800, v48;
	[tilespmem:s12+$0x8C20] =	vst v25  }
0x149: {  	[tilespmem:$0x1FD50] =	vst v0  }
0x14a: {  	v31 =	vadd.s32 $0x600, v47;
	v20 =	vld.idx.msk [tilespmem:v20+s2+$0x0], $0xffff;
	[tilespmem:s11+$0xD830] =	vst v7  }
0x14b: {  	v0 =	vadd.s32 $0x1800, v47;
	[tilespmem:s12+$0x8C00] =	vst v15  }
0x14c: {  	[tilespmem:$0x1FD60] =	vst v0;
	v15 =	vld.idx.msk [tilespmem:v21+s2+$0x0], $0xffff  }
0x14d: {  	v0 =	vadd.s32 $0x1C00, v2;
	v21 =	vld.idx.msk [tilespmem:v27+s2+$0x0], $0xffff;
	[tilespmem:s11+$0xD400] =	vst v16  }
0x14e: {  	[tilespmem:$0x1FE20] =	vst v0;
	v0 =	vadd.s32 $0x1A00, v48  }
0x14f: {  	v38 =	vld.idx.msk [tilespmem:v31+s2+$0x0], $0xffff;
	[tilespmem:$0x1FDB0] =	vst v0  }
0x150: {  	v0 =	vadd.s32 $0x1A00, v47;
	[tilespmem:s11+$0xD020] =	vst v11  }
0x151: {  	[tilespmem:$0x1FDC0] =	vst v0;
	v0 =	vadd.s32 $0x1C00, v48  }
0x152: {  	[tilespmem:$0x1FE30] =	vst v0  }
0x153: {  	[tilespmem:s12+$0x9030] =	vst v20  }
0x154: {  	v50 =	vld.idx.msk [tilespmem:v44+s2+$0x0], $0xffff;
	v0 =	vadd.s32 $0x1C00, v47;
	[tilespmem:s12+$0x9020] =	vst v38  }
0x155: {  	v46 =	vmovc v45;
	v45 =	vmov v42;
	v42 =	vmov v52;
	v52 =	vadd.s32 $0x800, v53;
	[tilespmem:$0x1FE40] =	vst v0  }
0x156: {  	v59 =	vadd.s32 $0x800, v2;
	v0 =	vadd.s32 $0x1E00, v2;
	[tilespmem:s12+$0x9000] =	vst v21  }
0x157: {  	[tilespmem:$0x1FEC0] =	vst v0;
	v0 =	vadd.s32 $0x1E00, v48  }
0x158: {  	[tilespmem:$0x1FED0] =	vst v0;
	v0 =	vadd.s32 $0x2000, v2  }
0x159: {  	[tilespmem:$0x1FF50] =	vst v0;
	v0 =	vadd.s32 $0x2000, v48  }
0x15a: {  	v44 =	vmov v40;
	v40 =	vld.idx.msk [tilespmem:v52+s2+$0x0], $0xffff;
	[tilespmem:$0x1FF60] =	vst v0;
	v0 =	vadd.s32 $0x1E00, v47  }
0x15b: {  	v52 =	vld.idx.msk [tilespmem:v59+s2+$0x0], $0xffff;
	[tilespmem:$0x1FEE0] =	vst v0;
	v0 =	vadd.s32 $0x2200, v48  }
0x15c: {  	v29 =	vadd.s32 $0xA00, v2;
	v24 =	vadd.s32 $0xC00, v2;
	[tilespmem:$0x1FDE0] =	vst v0;
	v0 =	vadd.s32 $0x2000, v47  }
0x15d: {  	v19 =	vadd.s32 $0xE00, v2;
	v30 =	vadd.s32 $0x600, v48;
	[tilespmem:$0x1FF70] =	vst v0;
	v0 =	vadd.s32 $0x2400, v2  }
0x15e: {  	v62 =	vadd.s32 $0x2C00, v2;
	v3 =	vadd.s32 $0x800, v47;
	[tilespmem:$0x1FD00] =	vst v0;
	v0 =	vadd.s32 $0x2400, v48  }
0x15f: {  	v5 =	vadd.s32 $0x2800, v2;
	v9 =	vadd.s32 $0x2200, v2;
	v39 =	vld.idx.msk [tilespmem:v39+s2+$0x0], $0xffff;
	[tilespmem:$0x1FFB0] =	vst v0;
	v0 =	vadd.s32 $0x2600, v2  }
0x160: {  	v10 =	vadd.s32 $0x1000, v2;
	v49 =	vadd.s32 $0x2A00, v2;
	v55 =	vadd.s32 $0x2E00, v1;
	v60 =	vld.idx.msk [tilespmem:v57+s2+$0x0], $0xffff;
	[tilespmem:s12+$0x9400] =	vst v52  }
0x161: {  	v33 =	vadd.s32 $0x3000, v2;
	v27 =	vadd.s32 $0x3200, v2;
	v11 =	vmovc v35;
	v35 =	vadd.s32 $0x2E00, v2;
	[tilespmem:s11+$0xDC30] =	vst v15;
	v29 =	vld.idx.msk [tilespmem:v29+s2+$0x0], $0xffff  }
0x162: {  	v21 =	vadd.s32 $0x3400, v2;
	v15 =	vadd.s32 $0x3600, v2;
	v2 =	vadd.s32 $0x3E00, v2;
	[tilespmem:$0x1FF90] =	vst v0;
	v0 =	vmovc v54;
	v54 =	vld.idx.msk [tilespmem:v30+s2+$0x0], $0xffff  }
0x163: {  	v56 =	vadd.s32 $0x800, v48;
	[tilespmem:$0x1FFD0] =	vst v2;
	v2 =	vld [tilespmem:$0x1FFE0]  }
0x164: {  	v3 =	vld.idx.msk [tilespmem:v3+s2+$0x0], $0xffff;
	[tilespmem:s11+$0xD420] =	vst v50  }
0x165: {  	v26 =	vadd.s32 $0xA00, v47;
	v51 =	vld.idx.msk [tilespmem:v55+s2+$0x0], $0xffff;
	[tilespmem:s11+$0xD800] =	vst v60  }
0x166: {  	[tilespmem:s12+$0x9430] =	vst v40;
	v60 =	vld.idx.msk [tilespmem:v42+s2+$0x0], $0xffff  }
0x167: {  	[tilespmem:s12+$0x9010] =	vst v54;
	v54 =	vadd.s32 $0xA00, v53  }
0x168: {  	v59 =	vmov v41;
	[tilespmem:s12+$0x9800] =	vst v29;
	v41 =	vld.idx.msk [tilespmem:v56+s2+$0x0], $0xffff;
	v56 =	vadd.s32 $0x3000, v1  }
0x169: {  	v28 =	vadd.s32 $0xA00, v48;
	[tilespmem:s12+$0x9420] =	vst v3;
	v24 =	vld.idx.msk [tilespmem:v24+s2+$0x0], $0xffff  }
0x16a: {  	v26 =	vld.idx.msk [tilespmem:v26+s2+$0x0], $0xffff;
	[tilespmem:s11+$0xD410] =	vst v39  }
0x16b: {  	v43 =	vmov v36;
	v36 =	vadd.s32 $0x2A00, v48;
	v58 =	vmov v37;
	[tilespmem:s11+$0xDC00] =	vst v60;
	v40 =	vld.idx.msk [tilespmem:v2+s2+$0x0], $0xffff  }
0x16c: {  	v2 =	vmov v36;
	v36 =	vld.idx.msk [tilespmem:v54+s2+$0x0], $0xffff;
	[tilespmem:s11+$0xE030] =	vst v51  }
0x16d: {  	v51 =	vld.idx.msk [tilespmem:v56+s2+$0x0], $0xffff;
	[tilespmem:s12+$0x9410] =	vst v41;
	v41 =	vadd.s32 $0xC00, v53  }
0x16e: {  	v3 =	vadd.s32 $0x3200, v1;
	[tilespmem:s12+$0x9C00] =	vst v24;
	v28 =	vld.idx.msk [tilespmem:v28+s2+$0x0], $0xffff  }
0x16f: {  	[tilespmem:$0x1FD90] =	vst v22;
	v23 =	vadd.s32 $0xC00, v48;
	v19 =	vld.idx.msk [tilespmem:v19+s2+$0x0], $0xffff  }
0x170: {  	v22 =	vadd.s32 $0xC00, v47;
	v24 =	vld.idx.msk [tilespmem:v58+s2+$0x0], $0xffff;
	[tilespmem:s11+$0xD810] =	vst v40  }
0x171: {  	v40 =	vld.idx.msk [tilespmem:v0+s2+$0x0], $0xffff;
	[tilespmem:s12+$0x9830] =	vst v36  }
0x172: {  	v52 =	vmov v62;
	v62 =	vld.idx.msk [tilespmem:v41+s2+$0x0], $0xffff;
	[tilespmem:s11+$0xE430] =	vst v51  }
0x173: {  	v3 =	vld.idx.msk [tilespmem:v3+s2+$0x0], $0xffff;
	[tilespmem:s12+$0x9810] =	vst v28;
	v28 =	vadd.s32 $0xE00, v53  }
0x174: {  	[tilespmem:s12+$0x9820] =	vst v26;
	v26 =	vadd.s32 $0x3400, v1;
	v23 =	vld.idx.msk [tilespmem:v23+s2+$0x0], $0xffff  }
0x175: {  	[tilespmem:$0x1FFE0] =	vst v2;
	v22 =	vld.idx.msk [tilespmem:v22+s2+$0x0], $0xffff  }
0x176: {  	v2 =	vld [tilespmem:$0x1FC40];
	[tilespmem:s11+$0xD820] =	vst v40  }
0x177: {  	v29 =	vld.idx.msk [tilespmem:v45+s2+$0x0], $0xffff;
	[tilespmem:s12+$0x9C30] =	vst v62  }
0x178: {  	v28 =	vld.idx.msk [tilespmem:v28+s2+$0x0], $0xffff;
	[tilespmem:s11+$0xE830] =	vst v3  }
0x179: {  	v3 =	vld.idx.msk [tilespmem:v26+s2+$0x0], $0xffff;
	[tilespmem:s12+$0x9C10] =	vst v23;
	v23 =	vadd.s32 $0x1000, v53  }
0x17a: {  	v0 =	vld.idx.msk [tilespmem:v46+s2+$0x0], $0xffff;
	[tilespmem:s12+$0x9C20] =	vst v22;
	v22 =	vadd.s32 $0x3600, v1;
	_ =	sdelay $0x1  }
0x17b: {  	[tilespmem:s12+$0xA000] =	vst v19  }
0x17c: {  	v19 =	vld.idx.msk [tilespmem:v10+s2+$0x0], $0xffff;
	[tilespmem:s12+$0xA030] =	vst v28  }
0x17d: {  	v23 =	vld.idx.msk [tilespmem:v23+s2+$0x0], $0xffff;
	[tilespmem:s11+$0xEC30] =	vst v3  }
0x17e: {  	[tilespmem:s11+$0xE000] =	vst v24;
	v3 =	vld.idx.msk [tilespmem:v22+s2+$0x0], $0xffff  }
0x17f: {  	v22 =	vld.idx.msk [tilespmem:v2+s2+$0x0], $0xffff  }
0x180: {  	v18 =	vadd.s32 $0xE00, v48;
	v2 =	vld [tilespmem:$0x1FC50];
	_ =	sdelay $0x1  }
0x181: {  	[tilespmem:$0x1FC30] =	vst v17;
	v17 =	vadd.s32 $0xE00, v47;
	_ =	sdelay $0x2  }
0x182: {  	v18 =	vld.idx.msk [tilespmem:v18+s2+$0x0], $0xffff  }
0x183: {  	v13 =	vadd.s32 $0x1000, v48  }
0x184: {  	v8 =	vadd.s32 $0x2600, v48;
	v17 =	vld.idx.msk [tilespmem:v17+s2+$0x0], $0xffff;
	[tilespmem:s12+$0xA400] =	vst v19  }
0x185: {  	v46 =	vmov v8;
	[tilespmem:s11+$0xDC20] =	vst v0;
	v8 =	vld.idx.msk [tilespmem:v2+s2+$0x0], $0xffff  }
0x186: {  	[tilespmem:s11+$0xDC10] =	vst v29;
	v2 =	vld [tilespmem:$0x1FC60]  }
0x187: {  	v0 =	vld.idx.msk [tilespmem:v44+s2+$0x0], $0xffff;
	[tilespmem:s12+$0xA010] =	vst v18  }
0x188: {  	v13 =	vld.idx.msk [tilespmem:v13+s2+$0x0], $0xffff;
	_ =	sdelay $0x3  }
0x189: {  	v14 =	vadd.s32 $0x1000, v47;
	[tilespmem:s11+$0xE010] =	vst v0  }
0x18a: {  	[tilespmem:s12+$0xA410] =	vst v13  }
0x18b: {  	v10 =	vld.idx.msk [tilespmem:v2+s2+$0x0], $0xffff  }
0x18c: {  	v2 =	vld [tilespmem:$0x1FC70]  }
0x18d: {  	[tilespmem:s12+$0xA020] =	vst v17  }
0x18e: {  	v14 =	vld.idx.msk [tilespmem:v14+s2+$0x0], $0xffff;
	_ =	sdelay $0x4  }
0x18f: {  	v0 =	vld.idx.msk [tilespmem:v59+s2+$0x0], $0xffff;
	[tilespmem:s12+$0xA420] =	vst v14  }
0x190: {  	v58 =	vmov v9;
	v9 =	vld.idx.msk [tilespmem:v2+s2+$0x0], $0xffff  }
0x191: {  	v18 =	vadd.s32 $0x1200, v53;
	v2 =	vld [tilespmem:$0x1FC80];
	_ =	sdelay $0x1  }
0x192: {  	v17 =	vadd.s32 $0x3800, v1;
	_ =	sdelay $0x1  }
0x193: {  	[tilespmem:s12+$0xA430] =	vst v23  }
0x194: {  	v18 =	vld.idx.msk [tilespmem:v18+s2+$0x0], $0xffff;
	[tilespmem:s11+$0xF030] =	vst v3  }
0x195: {  	[tilespmem:s11+$0xE400] =	vst v22  }
0x196: {  	v3 =	vld.idx.msk [tilespmem:v17+s2+$0x0], $0xffff;
	[tilespmem:s12+$0xA800] =	vst v8  }
0x197: {  	v8 =	vld.idx.msk [tilespmem:v2+s2+$0x0], $0xffff  }
0x198: {  	v13 =	vadd.s32 $0x1400, v53;
	v2 =	vld [tilespmem:$0x1FC90]  }
0x199: {  	v14 =	vadd.s32 $0x3A00, v1;
	_ =	sdelay $0x2  }
0x19a: {  	[tilespmem:s12+$0xA830] =	vst v18  }
0x19b: {  	v13 =	vld.idx.msk [tilespmem:v13+s2+$0x0], $0xffff;
	[tilespmem:s11+$0xF430] =	vst v3  }
0x19c: {  	v3 =	vld.idx.msk [tilespmem:v14+s2+$0x0], $0xffff;
	[tilespmem:s11+$0xE020] =	vst v0  }
0x19d: {  	v0 =	vld.idx.msk [tilespmem:v11+s2+$0x0], $0xffff;
	[tilespmem:s12+$0xA810] =	vst v10  }
0x19e: {  	v14 =	vld.idx.msk [tilespmem:v2+s2+$0x0], $0xffff  }
0x19f: {  	v2 =	vld [tilespmem:$0x1FCA0];
	_ =	sdelay $0x6  }
0x1a0: {  	v17 =	vld.idx.msk [tilespmem:v43+s2+$0x0], $0xffff;
	[tilespmem:s12+$0xA820] =	vst v9  }
0x1a1: {  	[tilespmem:$0x1FCC0] =	vst v32;
	v18 =	vld.idx.msk [tilespmem:v2+s2+$0x0], $0xffff  }
0x1a2: {  	v2 =	vld [tilespmem:$0x1FCC0];
	_ =	sdelay $0x6  }
0x1a3: {  	[tilespmem:s11+$0xE410] =	vst v0;
	v0 =	vld [tilespmem:$0x1FCB0]  }
0x1a4: {  	[tilespmem:s12+$0xAC30] =	vst v13;
	v13 =	vld.idx.msk [tilespmem:v2+s2+$0x0], $0xffff  }
0x1a5: {  	v2 =	vld [tilespmem:$0x1FCE0];
	_ =	sdelay $0x6  }
0x1a6: {  	v0 =	vld.idx.msk [tilespmem:v0+s2+$0x0], $0xffff;
	[tilespmem:s12+$0xAC00] =	vst v8  }
0x1a7: {  	v8 =	vld.idx.msk [tilespmem:v2+s2+$0x0], $0xffff  }
0x1a8: {  	v2 =	vld [tilespmem:$0x1FCF0];
	_ =	sdelay $0x6  }
0x1a9: {  	v4 =	vadd.s32 $0x2200, v47;
	[tilespmem:s12+$0xAC10] =	vst v14  }
0x1aa: {  	v56 =	vmov v4;
	v4 =	vld.idx.msk [tilespmem:v2+s2+$0x0], $0xffff  }
0x1ab: {  	v2 =	vld [tilespmem:$0x1FD10];
	_ =	sdelay $0x5  }
0x1ac: {  	[tilespmem:s11+$0xE420] =	vst v17  }
0x1ad: {  	v10 =	vadd.s32 $0x1600, v53;
	[tilespmem:s12+$0xAC20] =	vst v18  }
0x1ae: {  	v17 =	vld.idx.msk [tilespmem:v2+s2+$0x0], $0xffff  }
0x1af: {  	v2 =	vld [tilespmem:$0x1FD30];
	_ =	sdelay $0x1  }
0x1b0: {  	v9 =	vadd.s32 $0x3C00, v1  }
0x1b1: {  	v10 =	vld.idx.msk [tilespmem:v10+s2+$0x0], $0xffff;
	_ =	sdelay $0x2  }
0x1b2: {  	[tilespmem:s11+$0xF830] =	vst v3  }
0x1b3: {  	v3 =	vld.idx.msk [tilespmem:v9+s2+$0x0], $0xffff;
	[tilespmem:s11+$0xE800] =	vst v0  }
0x1b4: {  	[tilespmem:s12+$0xB030] =	vst v10;
	v10 =	vld.idx.msk [tilespmem:v2+s2+$0x0], $0xffff  }
0x1b5: {  	v2 =	vld [tilespmem:$0x1FD40];
	_ =	sdelay $0x6  }
0x1b6: {  	[tilespmem:s12+$0xB000] =	vst v8  }
0x1b7: {  	v8 =	vld.idx.msk [tilespmem:v2+s2+$0x0], $0xffff  }
0x1b8: {  	v2 =	vld [tilespmem:$0x1FD50];
	_ =	sdelay $0x5  }
0x1b9: {  	[tilespmem:s11+$0xE810] =	vst v13  }
0x1ba: {  	v0 =	vld [tilespmem:$0x1FD20];
	[tilespmem:s12+$0xB010] =	vst v4  }
0x1bb: {  	v13 =	vld.idx.msk [tilespmem:v2+s2+$0x0], $0xffff  }
0x1bc: {  	v9 =	vadd.s32 $0x1800, v53;
	v2 =	vld [tilespmem:$0x1FD60]  }
0x1bd: {  	v14 =	vadd.s32 $0x3E00, v1;
	_ =	sdelay $0x3  }
0x1be: {  	v9 =	vld.idx.msk [tilespmem:v9+s2+$0x0], $0xffff;
	[tilespmem:s11+$0xFC30] =	vst v3  }
0x1bf: {  	v3 =	vld.idx.msk [tilespmem:v14+s2+$0x0], $0xffff  }
0x1c0: {  	v0 =	vld.idx.msk [tilespmem:v0+s2+$0x0], $0xffff;
	[tilespmem:s12+$0xB020] =	vst v17  }
0x1c1: {  	v14 =	vld.idx.msk [tilespmem:v2+s2+$0x0], $0xffff  }
0x1c2: {  	v2 =	vld [tilespmem:$0x1FD80];
	_ =	sdelay $0x6  }
0x1c3: {  	[tilespmem:s11+$0xE820] =	vst v0  }
0x1c4: {  	[tilespmem:s12+$0xB430] =	vst v9;
	v9 =	vld.idx.msk [tilespmem:v2+s2+$0x0], $0xffff  }
0x1c5: {  	v2 =	vld [tilespmem:$0x1FD90]  }
0x1c6: {  	v1 =	vmov v53  }
0x1c7: {  	v4 =	vadd.s32 $0x1A00, v1;
	_ =	sdelay $0x3  }
0x1c8: {  	[tilespmem:s11+$0xEC00] =	vst v10  }
0x1c9: {  	v4 =	vld.idx.msk [tilespmem:v4+s2+$0x0], $0xffff;
	[tilespmem:s12+$0xB400] =	vst v8  }
0x1ca: {  	[tilespmem:s11+$0x10030] =	vst v3;
	v3 =	vld.idx.msk [tilespmem:v2+s2+$0x0], $0xffff  }
0x1cb: {  	v2 =	vld [tilespmem:$0x1FDA0];
	_ =	sdelay $0x6  }
0x1cc: {  	v0 =	vld [tilespmem:$0x1FD70]  }
0x1cd: {  	v8 =	vld.idx.msk [tilespmem:v2+s2+$0x0], $0xffff  }
0x1ce: {  	v2 =	vld [tilespmem:$0x1FDB0];
	_ =	sdelay $0x6  }
0x1cf: {  	v0 =	vld.idx.msk [tilespmem:v0+s2+$0x0], $0xffff;
	[tilespmem:s12+$0xB410] =	vst v13  }
0x1d0: {  	v13 =	vld.idx.msk [tilespmem:v2+s2+$0x0], $0xffff  }
0x1d1: {  	v2 =	vld [tilespmem:$0x1FDC0];
	_ =	sdelay $0x6  }
0x1d2: {  	[tilespmem:s12+$0xB420] =	vst v14  }
0x1d3: {  	v14 =	vld.idx.msk [tilespmem:v2+s2+$0x0], $0xffff  }
0x1d4: {  	v2 =	vld [tilespmem:$0x1FDF0];
	_ =	sdelay $0x6  }
0x1d5: {  	[tilespmem:s11+$0xEC20] =	vst v9  }
0x1d6: {  	[tilespmem:s12+$0xB830] =	vst v4;
	v4 =	vld.idx.msk [tilespmem:v2+s2+$0x0], $0xffff  }
0x1d7: {  	v2 =	vld [tilespmem:$0x1FE00];
	_ =	sdelay $0x5  }
0x1d8: {  	[tilespmem:s11+$0xF000] =	vst v3  }
0x1d9: {  	[tilespmem:s12+$0xB800] =	vst v8  }
0x1da: {  	v3 =	vld.idx.msk [tilespmem:v2+s2+$0x0], $0xffff  }
0x1db: {  	v7 =	vadd.s32 $0x2800, v48;
	v2 =	vld [tilespmem:$0x1FE10]  }
0x1dc: {  	v16 =	vmov v7  }
0x1dd: {  	[tilespmem:$0x1FF00] =	vst v16;
	v16 =	vadd.s32 $0x3400, v48;
	_ =	sdelay $0x2  }
0x1de: {  	v28 =	vmov v16;
	v16 =	vmov v2;
	v2 =	vld [tilespmem:$0x1FE20];
	_ =	sdelay $0x6  }
0x1df: {  	[tilespmem:s11+$0xEC10] =	vst v0;
	v0 =	vld [tilespmem:$0x1FDD0]  }
0x1e0: {  	v8 =	vld.idx.msk [tilespmem:v2+s2+$0x0], $0xffff  }
0x1e1: {  	v2 =	vld [tilespmem:$0x1FE30];
	_ =	sdelay $0x6  }
0x1e2: {  	v0 =	vld.idx.msk [tilespmem:v0+s2+$0x0], $0xffff;
	[tilespmem:s12+$0xB810] =	vst v13  }
0x1e3: {  	v11 =	vld.idx.msk [tilespmem:v2+s2+$0x0], $0xffff  }
0x1e4: {  	v2 =	vld [tilespmem:$0x1FE40];
	_ =	sdelay $0x5  }
0x1e5: {  	v12 =	vadd.s32 $0x2800, v47  }
0x1e6: {  	v7 =	vmov v12;
	v12 =	vadd.s32 $0x3400, v47;
	[tilespmem:s12+$0xB820] =	vst v14  }
0x1e7: {  	v29 =	vmov v12;
	v12 =	vld.idx.msk [tilespmem:v2+s2+$0x0], $0xffff  }
0x1e8: {  	v2 =	vld [tilespmem:$0x1FE60];
	_ =	sdelay $0x4  }
0x1e9: {  	v19 =	vmov v2;
	v2 =	vld [tilespmem:$0x1FE80];
	_ =	sdelay $0x6  }
0x1ea: {  	[tilespmem:s11+$0xF020] =	vst v4  }
0x1eb: {  	v4 =	vld.idx.msk [tilespmem:v2+s2+$0x0], $0xffff  }
0x1ec: {  	v2 =	vld [tilespmem:$0x1FE90];
	_ =	sdelay $0x1  }
0x1ed: {  	v34 =	vadd.s32 $0x2E00, v48;
	v20 =	vadd.s32 $0x3200, v47;
	_ =	sdelay $0x2  }
0x1ee: {  	v40 =	vmovc v34;
	v34 =	vmov v33;
	v33 =	vmov v20;
	v20 =	vmov v2;
	v2 =	vld [tilespmem:$0x1FEA0];
	_ =	sdelay $0x5  }
0x1ef: {  	[tilespmem:s11+$0xF400] =	vst v3  }
0x1f0: {  	[tilespmem:s12+$0xBC00] =	vst v8  }
0x1f1: {  	v3 =	vld.idx.msk [tilespmem:v2+s2+$0x0], $0xffff  }
0x1f2: {  	v2 =	vld [tilespmem:$0x1FEB0];
	_ =	sdelay $0x4  }
0x1f3: {  	v13 =	vmov v2;
	v2 =	vld [tilespmem:$0x1FEC0];
	_ =	sdelay $0x5  }
0x1f4: {  	[tilespmem:$0x1FE70] =	vst v5  }
0x1f5: {  	v5 =	vadd.s32 $0x2C00, v48;
	[tilespmem:s11+$0xF010] =	vst v0;
	v0 =	vld [tilespmem:$0x1FE50]  }
0x1f6: {  	v42 =	vmov v5;
	v5 =	vld.idx.msk [tilespmem:v2+s2+$0x0], $0xffff  }
0x1f7: {  	v2 =	vld [tilespmem:$0x1FED0];
	_ =	sdelay $0x6  }
0x1f8: {  	v10 =	vadd.s32 $0x1C00, v1;
	v0 =	vld.idx.msk [tilespmem:v0+s2+$0x0], $0xffff;
	[tilespmem:s12+$0xBC10] =	vst v11  }
0x1f9: {  	v8 =	vld.idx.msk [tilespmem:v2+s2+$0x0], $0xffff  }
0x1fa: {  	v2 =	vld [tilespmem:$0x1FEE0];
	_ =	sdelay $0x2  }
0x1fb: {  	v9 =	vld.idx.msk [tilespmem:v10+s2+$0x0], $0xffff;
	_ =	sdelay $0x3  }
0x1fc: {  	[tilespmem:s12+$0xBC20] =	vst v12  }
0x1fd: {  	[tilespmem:s12+$0xBC30] =	vst v9;
	v9 =	vld.idx.msk [tilespmem:v2+s2+$0x0], $0xffff  }
0x1fe: {  	v2 =	vld [tilespmem:$0x1FF10];
	_ =	sdelay $0x6  }
0x1ff: {  	[tilespmem:s11+$0xF420] =	vst v4  }
0x200: {  	v4 =	vld.idx.msk [tilespmem:v2+s2+$0x0], $0xffff  }
0x201: {  	v2 =	vld [tilespmem:$0x1FF20];
	_ =	sdelay $0x4  }
0x202: {  	v18 =	vmov v2;
	v2 =	vld [tilespmem:$0x1FF30];
	_ =	sdelay $0x1  }
0x203: {  	v10 =	vadd.s32 $0x1E00, v1;
	_ =	sdelay $0x3  }
0x204: {  	v6 =	vadd.s32 $0x2400, v47;
	[tilespmem:s11+$0xF800] =	vst v3  }
0x205: {  	v51 =	vmov v6;
	v6 =	vld.idx.msk [tilespmem:v10+s2+$0x0], $0xffff;
	[tilespmem:s12+$0xC000] =	vst v5  }
0x206: {  	v10 =	vld.idx.msk [tilespmem:v2+s2+$0x0], $0xffff  }
0x207: {  	v2 =	vld [tilespmem:$0x1FF40];
	_ =	sdelay $0x4  }
0x208: {  	v12 =	vmov v2;
	v2 =	vld [tilespmem:$0x1FF50];
	_ =	sdelay $0x4  }
0x209: {  	[tilespmem:s11+$0xF410] =	vst v0;
	v0 =	vld [tilespmem:$0x1FEF0];
	_ =	sdelay $0x2  }
0x20a: {  	v11 =	vld.idx.msk [tilespmem:v2+s2+$0x0], $0xffff  }
0x20b: {  	v2 =	vld [tilespmem:$0x1FF60];
	_ =	sdelay $0x3  }
0x20c: {  	v0 =	vld.idx.msk [tilespmem:v0+s2+$0x0], $0xffff;
	_ =	sdelay $0x2  }
0x20d: {  	[tilespmem:s12+$0xC010] =	vst v8  }
0x20e: {  	[tilespmem:s12+$0xC030] =	vst v6;
	v6 =	vld.idx.msk [tilespmem:v2+s2+$0x0], $0xffff  }
0x20f: {  	[tilespmem:s11+$0xF810] =	vst v0;
	v0 =	vld [tilespmem:$0x1FF80];
	_ =	sdelay $0x6  }
0x210: {  	v2 =	vld [tilespmem:$0x1FF70]  }
0x211: {  	v37 =	vadd.s32 $0x2A00, v47;
	v31 =	vadd.s32 $0x3000, v48;
	v5 =	vld.idx.msk [tilespmem:v0+s2+$0x0], $0xffff  }
0x212: {  	v0 =	vld [tilespmem:$0x1FFA0]  }
0x213: {  	v32 =	vadd.s32 $0x2E00, v47;
	v38 =	vadd.s32 $0x3600, v47;
	v44 =	vmovc v7;
	v7 =	vadd.s32 $0x2000, v1  }
0x214: {  	v54 =	vmovc v37;
	v37 =	vmovc v35;
	v35 =	vmov v31;
	v31 =	vmov v27;
	v27 =	vmov v38;
	v38 =	vld [tilespmem:$0x1FE70]  }
0x215: {  	v25 =	vadd.s32 $0x3200, v48;
	v24 =	vld [tilespmem:$0x1FC30]  }
0x216: {  	v55 =	vadd.s32 $0x3600, v48;
	v41 =	vmov v32;
	v32 =	vmov v25;
	v25 =	vld [tilespmem:$0x1FCD0]  }
0x217: {  	v26 =	vmov v55;
	v55 =	vld [tilespmem:$0x1FDE0]  }
0x218: {  	v7 =	vld.idx.msk [tilespmem:v7+s2+$0x0], $0xffff;
	[tilespmem:s12+$0xC020] =	vst v9  }
0x219: {  	v8 =	vld.idx.msk [tilespmem:v2+s2+$0x0], $0xffff;
	[tilespmem:s11+$0xF820] =	vst v4  }
0x21a: {  	v4 =	vld.idx.msk [tilespmem:v0+s2+$0x0], $0xffff  }
0x21b: {  	v0 =	vld [tilespmem:$0x1FFC0]  }
0x21c: {  	v57 =	vmov v49;
	v49 =	vadd.s32 $0x3C00, v48;
	v23 =	vld [tilespmem:$0x1FFF0]  }
0x21d: {  	s13 =	sadd.s32 $0x4, s13;
	v22 =	vmov v15;
	v15 =	vmov v49;
	v49 =	vld [tilespmem:$0x1FF90];
	v3 =	vadd.s32 $0x2200, v1  }
0x21e: {  	p0 =	slt.u32 s13, $0x3C;
	v2 =	vld [tilespmem:$0x1FFD0]  }
.Ltmp0:
0x21f: {  	v39 =	vadd.s32 $0x3A00, v48;
	v53 =	vld [tilespmem:$0x1FD00];
	(pc) =	sbr.rel @p0 .LBB2_2-.Ltmp0, $4  }
0x220: {  	v50 =	vadd.s32 $0x3C00, v47;
	v30 =	vadd.s32 $0x3000, v47;
	v17 =	vmov v39;
	v39 =	vld [tilespmem:$0x1FF00];
	[tilespmem:s12+$0xC430] =	vst v7  }
0x221: {  	v14 =	vmov v50;
	v50 =	vld [tilespmem:$0x1FFB0];
	[tilespmem:s11+$0xFC00] =	vst v10  }
0x222: {  	v63 =	vadd.s32 $0x2C00, v47;
	v61 =	vadd.s32 $0x2600, v47;
	v47 =	vadd.s32 $0x3E00, v47;
	v3 =	vld.idx.msk [tilespmem:v3+s2+$0x0], $0xffff;
	[tilespmem:s12+$0xC400] =	vst v11  }
0x223: {  	s14 =	sadd.s32 $0x100, s14;
	v48 =	vadd.s32 $0x3E00, v48;
	v36 =	vmovc v30;
	v30 =	vmovc v21;
	v45 =	vmov v63;
	v9 =	vmov v2;
	v0 =	vld.idx.msk [tilespmem:v0+s2+$0x0], $0xffff  }
0x224: {  	_ =	sdelay $0x3  }
0x225: {  	v2 =	vld.idx.msk [tilespmem:v58+s2+$0x0], $0xffff;
	[tilespmem:s12+$0xC410] =	vst v6;
	v58 =	vadd.s32 $0x2400, v1  }
0x226: {  	[tilespmem:s12+$0xC420] =	vst v8;
	v7 =	vld.idx.msk [tilespmem:v55+s2+$0x0], $0xffff  }
0x227: {  	v8 =	vld.idx.msk [tilespmem:v56+s2+$0x0], $0xffff;
	_ =	sdelay $0x1  }
0x228: {  	[tilespmem:s12+$0xC830] =	vst v3  }
0x229: {  	v3 =	vld.idx.msk [tilespmem:v58+s2+$0x0], $0xffff;
	[tilespmem:s12+$0xC800] =	vst v2  }
0x22a: {  	v59 =	vadd.s32 $0x2600, v1;
	v60 =	vld.idx.msk [tilespmem:v53+s2+$0x0], $0xffff;
	[tilespmem:s12+$0xC810] =	vst v7  }
0x22b: {  	[tilespmem:s12+$0xC820] =	vst v8;
	v7 =	vld.idx.msk [tilespmem:v50+s2+$0x0], $0xffff  }
0x22c: {  	v8 =	vld.idx.msk [tilespmem:v51+s2+$0x0], $0xffff;
	_ =	sdelay $0x1  }
0x22d: {  	[tilespmem:s12+$0xCC30] =	vst v3  }
0x22e: {  	v2 =	vld.idx.msk [tilespmem:v59+s2+$0x0], $0xffff;
	[tilespmem:s12+$0xCC00] =	vst v60  }
0x22f: {  	v62 =	vadd.s32 $0x2800, v1;
	[tilespmem:s12+$0xCC10] =	vst v7;
	v6 =	vld.idx.msk [tilespmem:v49+s2+$0x0], $0xffff  }
0x230: {  	[tilespmem:s12+$0xCC20] =	vst v8;
	v7 =	vld.idx.msk [tilespmem:v46+s2+$0x0], $0xffff  }
0x231: {  	v8 =	vld.idx.msk [tilespmem:v61+s2+$0x0], $0xffff;
	_ =	sdelay $0x1  }
0x232: {  	[tilespmem:s12+$0xD030] =	vst v2  }
0x233: {  	v2 =	vld.idx.msk [tilespmem:v62+s2+$0x0], $0xffff;
	[tilespmem:s12+$0xD000] =	vst v6  }
0x234: {  	[tilespmem:s12+$0xD010] =	vst v7;
	v6 =	vld.idx.msk [tilespmem:v38+s2+$0x0], $0xffff  }
0x235: {  	[tilespmem:s12+$0xD020] =	vst v8;
	v7 =	vld.idx.msk [tilespmem:v39+s2+$0x0], $0xffff  }
0x236: {  	v8 =	vld.idx.msk [tilespmem:v44+s2+$0x0], $0xffff;
	_ =	sdelay $0x1  }
0x237: {  	[tilespmem:s12+$0xD430] =	vst v2  }
0x238: {  	[tilespmem:s12+$0xD400] =	vst v6  }
0x239: {  	[tilespmem:s12+$0xD410] =	vst v7  }
0x23a: {  	[tilespmem:s12+$0xD420] =	vst v8  }
0x23b: {  	v63 =	vadd.s32 $0x2A00, v1;
	v7 =	vld [tilespmem:$0x1FFE0];
	_ =	sdelay $0x4  }
0x23c: {  	v2 =	vld.idx.msk [tilespmem:v63+s2+$0x0], $0xffff  }
0x23d: {  	v43 =	vadd.s32 $0x2C00, v1;
	v6 =	vld.idx.msk [tilespmem:v57+s2+$0x0], $0xffff  }
0x23e: {  	v8 =	vld.idx.msk [tilespmem:v54+s2+$0x0], $0xffff  }
0x23f: {  	v7 =	vld.idx.msk [tilespmem:v7+s2+$0x0], $0xffff;
	_ =	sdelay $0x1  }
0x240: {  	[tilespmem:s12+$0xD830] =	vst v2  }
0x241: {  	v2 =	vld.idx.msk [tilespmem:v43+s2+$0x0], $0xffff;
	[tilespmem:s12+$0xD800] =	vst v6  }
0x242: {  	v44 =	vadd.s32 $0x2E00, v1;
	v6 =	vld.idx.msk [tilespmem:v52+s2+$0x0], $0xffff;
	[tilespmem:s12+$0xD820] =	vst v8  }
0x243: {  	v8 =	vld.idx.msk [tilespmem:v45+s2+$0x0], $0xffff;
	[tilespmem:s12+$0xD810] =	vst v7  }
0x244: {  	v7 =	vld.idx.msk [tilespmem:v42+s2+$0x0], $0xffff;
	_ =	sdelay $0x1  }
0x245: {  	[tilespmem:s12+$0xDC30] =	vst v2  }
0x246: {  	v2 =	vld.idx.msk [tilespmem:v44+s2+$0x0], $0xffff;
	[tilespmem:s12+$0xDC00] =	vst v6  }
0x247: {  	v46 =	vadd.s32 $0x3000, v1;
	v6 =	vld.idx.msk [tilespmem:v37+s2+$0x0], $0xffff;
	[tilespmem:s12+$0xDC20] =	vst v8  }
0x248: {  	v8 =	vld.idx.msk [tilespmem:v41+s2+$0x0], $0xffff;
	[tilespmem:s12+$0xDC10] =	vst v7  }
0x249: {  	v7 =	vld.idx.msk [tilespmem:v40+s2+$0x0], $0xffff;
	_ =	sdelay $0x1  }
0x24a: {  	[tilespmem:s12+$0xE030] =	vst v2  }
0x24b: {  	v2 =	vld.idx.msk [tilespmem:v46+s2+$0x0], $0xffff;
	[tilespmem:s12+$0xE000] =	vst v6  }
0x24c: {  	v49 =	vadd.s32 $0x3200, v1;
	v6 =	vld.idx.msk [tilespmem:v34+s2+$0x0], $0xffff;
	[tilespmem:s12+$0xE020] =	vst v8  }
0x24d: {  	v8 =	vld.idx.msk [tilespmem:v36+s2+$0x0], $0xffff;
	[tilespmem:s12+$0xE010] =	vst v7  }
0x24e: {  	v7 =	vld.idx.msk [tilespmem:v35+s2+$0x0], $0xffff;
	_ =	sdelay $0x1  }
0x24f: {  	[tilespmem:s12+$0xE430] =	vst v2  }
0x250: {  	v2 =	vld.idx.msk [tilespmem:v49+s2+$0x0], $0xffff;
	[tilespmem:s12+$0xE400] =	vst v6  }
0x251: {  	v50 =	vadd.s32 $0x3400, v1;
	v6 =	vld.idx.msk [tilespmem:v31+s2+$0x0], $0xffff;
	[tilespmem:s12+$0xE420] =	vst v8  }
0x252: {  	v8 =	vld.idx.msk [tilespmem:v33+s2+$0x0], $0xffff;
	[tilespmem:s12+$0xE410] =	vst v7  }
0x253: {  	v7 =	vld.idx.msk [tilespmem:v32+s2+$0x0], $0xffff;
	_ =	sdelay $0x1  }
0x254: {  	[tilespmem:s12+$0xE830] =	vst v2  }
0x255: {  	v2 =	vld.idx.msk [tilespmem:v50+s2+$0x0], $0xffff;
	[tilespmem:s12+$0xE800] =	vst v6  }
0x256: {  	v51 =	vadd.s32 $0x3600, v1;
	v6 =	vld.idx.msk [tilespmem:v30+s2+$0x0], $0xffff;
	[tilespmem:s12+$0xE820] =	vst v8  }
0x257: {  	v8 =	vld.idx.msk [tilespmem:v29+s2+$0x0], $0xffff;
	[tilespmem:s12+$0xE810] =	vst v7  }
0x258: {  	v7 =	vld.idx.msk [tilespmem:v28+s2+$0x0], $0xffff;
	_ =	sdelay $0x1  }
0x259: {  	[tilespmem:s12+$0xEC30] =	vst v2  }
0x25a: {  	v2 =	vld.idx.msk [tilespmem:v51+s2+$0x0], $0xffff;
	[tilespmem:s12+$0xEC00] =	vst v6  }
0x25b: {  	v52 =	vadd.s32 $0x3800, v1;
	v6 =	vld.idx.msk [tilespmem:v22+s2+$0x0], $0xffff;
	[tilespmem:s12+$0xEC20] =	vst v8  }
0x25c: {  	v8 =	vld.idx.msk [tilespmem:v27+s2+$0x0], $0xffff;
	[tilespmem:s12+$0xEC10] =	vst v7  }
0x25d: {  	v7 =	vld.idx.msk [tilespmem:v26+s2+$0x0], $0xffff;
	_ =	sdelay $0x1  }
0x25e: {  	[tilespmem:s12+$0xF030] =	vst v2  }
0x25f: {  	v2 =	vld.idx.msk [tilespmem:v52+s2+$0x0], $0xffff;
	[tilespmem:s12+$0xF000] =	vst v6  }
0x260: {  	v53 =	vadd.s32 $0x3A00, v1;
	v6 =	vld.idx.msk [tilespmem:v16+s2+$0x0], $0xffff;
	[tilespmem:s12+$0xF020] =	vst v8  }
0x261: {  	v8 =	vld.idx.msk [tilespmem:v20+s2+$0x0], $0xffff;
	[tilespmem:s12+$0xF010] =	vst v7  }
0x262: {  	v7 =	vld.idx.msk [tilespmem:v19+s2+$0x0], $0xffff;
	_ =	sdelay $0x1  }
0x263: {  	[tilespmem:s12+$0xF430] =	vst v2  }
0x264: {  	v2 =	vld.idx.msk [tilespmem:v53+s2+$0x0], $0xffff;
	[tilespmem:s12+$0xF400] =	vst v6  }
0x265: {  	v54 =	vadd.s32 $0x3C00, v1;
	v6 =	vld.idx.msk [tilespmem:v13+s2+$0x0], $0xffff;
	[tilespmem:s12+$0xF420] =	vst v8  }
0x266: {  	v8 =	vld.idx.msk [tilespmem:v18+s2+$0x0], $0xffff;
	[tilespmem:s12+$0xF410] =	vst v7  }
0x267: {  	v7 =	vld.idx.msk [tilespmem:v17+s2+$0x0], $0xffff  }
0x268: {  	[tilespmem:s11+$0xFC10] =	vst v5  }
0x269: {  	[tilespmem:s12+$0xF830] =	vst v2  }
0x26a: {  	v2 =	vld.idx.msk [tilespmem:v54+s2+$0x0], $0xffff;
	[tilespmem:s12+$0xF800] =	vst v6  }
0x26b: {  	v55 =	vadd.s32 $0x3E00, v1;
	v56 =	vld.idx.msk [tilespmem:v12+s2+$0x0], $0xffff;
	[tilespmem:s12+$0xF820] =	vst v8  }
0x26c: {  	v58 =	vld.idx.msk [tilespmem:v14+s2+$0x0], $0xffff;
	[tilespmem:s12+$0xF810] =	vst v7  }
0x26d: {  	[tilespmem:s11+$0xFC20] =	vst v4;
	v57 =	vld.idx.msk [tilespmem:v15+s2+$0x0], $0xffff  }
0x26e: {  	[tilespmem:s11+$0x10000] =	vst v0;
	v59 =	vld.idx.msk [tilespmem:v24+s2+$0x0], $0xffff  }
0x26f: {  	v60 =	vld.idx.msk [tilespmem:v25+s2+$0x0], $0xffff;
	[tilespmem:s12+$0xFC30] =	vst v2  }
0x270: {  	v1 =	vld.idx.msk [tilespmem:v55+s2+$0x0], $0xffff;
	[tilespmem:s12+$0xFC00] =	vst v56  }
0x271: {  	v61 =	vld.idx.msk [tilespmem:v9+s2+$0x0], $0xffff;
	[tilespmem:s12+$0xFC20] =	vst v58  }
0x272: {  	v63 =	vld.idx.msk [tilespmem:v47+s2+$0x0], $0xffff;
	[tilespmem:s12+$0xFC10] =	vst v57  }
0x273: {  	[tilespmem:s11+$0x10010] =	vst v59;
	v62 =	vld.idx.msk [tilespmem:v48+s2+$0x0], $0xffff  }
0x274: {  	[tilespmem:s11+$0x10020] =	vst v60  }
0x275: {  	[tilespmem:s12+$0x10030] =	vst v1  }
0x276: {  	s10 =	sadd.s32 $0x1, s10;
	[tilespmem:s12+$0x10000] =	vst v61  }
0x277: {  	p0 =	sne.s32 s10, s7;
	[tilespmem:s12+$0x10020] =	vst v63  }
.Ltmp1:
0x278: {  	[tilespmem:s12+$0x10010] =	vst v62;
	(pc) =	sbr.rel @p0 .LBB2_1-.Ltmp1, $4  }
0x279: {  	[hbm4b:s6+s2] =	stream.linear.scatter [tilespmem:s9], [sflag:$0x1], $0x8000, $0x38;
	[tilespmem:$0x10400] =	vst v63  }
0x27a: {  	_ =	swait.ge [sflag:s4], $0x8000  }
0x27b: {  	[sflag:s4] =	ssyncset.done $0x0  }
0x27c: {  	[sflag:s4] =	ssyncadd.s32 $0xFFFF8000  }
0x27d: {  	_ =	sfence.sel $0x180000  }
0x27e: {  	[bflag:$0x0] =	sbarrier.arrive $0xFFFF  }
0x27f: {  	p0 =	sne.s32 s0, $0x0;
	_ =	strace $0x90000047  }
0x280: {  	s0 =	sadd.s32 @!p0 $0x100000, s1;
	[bflag:$0x2] =	sbarrier.arrive $0xFFFF  }
0x281: {  	[sflag:s0] =	ssyncadd.tile.s32 @!p0 $0x1;
	_ =	shalt  }
.Lfunc_end2:
_tile_overlayer_lowered:
.L_overlay_start_2:
0x282: {  	(tag) =	ssettag $0x2  }
0x283: {  	s0 =	rddreg [dreg:$0x0];
	s2 =	stileid.u32  }
0x284: {  	s1 =	rddreg [dreg:$0x1];
	p0 =	sne.s32 s2, $0x0  }
0x285: {  	s3 =	rddreg [dreg:$0x2];
	[bflag:$0x3] =	sbarrier.arrive $0xFFFF;
	s2 =	simm.s32 @!p0 $0x1C01  }
0x286: {  	[timem:s3], [sflag:s2] =	dma.local @!p0 [hbm:s0], s1  }
0x287: {  	s0 =	simm.s32 @!p0 $0x1  }
0x288: {  	_ =	swait.ge @!p0 [sflag:s0], s1  }
0x289: {  	s1 =	ssub.s32 @!p0 $0x0, s1;
	[sflag:s0] =	ssyncset.done @!p0 $0x0  }
0x28a: {  	[sflag:s0] =	ssyncadd.s32 @!p0 s1  }
0x28b: {  	[bflag:$0x3] =	sbarrier.arrive $0xFFFF  }
0x28c: {  	_ =	shalt  }

</sc_bundles>
